<compile_context>
chip_gen: v7x
topology: tpu7x:2x2x1
jax: 0.10.2.dev20260603
libtpu: 0.0.44.dev20260713+nightly
codegen_flags: <defaults>
</compile_context>

<pallas_src>
import functools

import jax
import jax.numpy as jnp
from jax import lax
from jax.experimental import pallas as pl
from jax.experimental.pallas import tpu as pltpu
from jax.experimental.pallas import tpu_sc as plsc

_TA = 256
_TB = 256


def _meta_math(counts_f, n_steps):
    e_count = counts_f.shape[-1]
    r64 = lax.broadcasted_iota(jnp.int32, (e_count, e_count), 0)
    c64 = lax.broadcasted_iota(jnp.int32, (e_count, e_count), 1)
    ut_incl = (r64 <= c64).astype(jnp.float32)
    ut_strict = (r64 < c64).astype(jnp.float32)
    end_i = jnp.dot(counts_f, ut_incl, preferred_element_type=jnp.float32).astype(
        jnp.int32
    )
    counts_i = counts_f.astype(jnp.int32)
    start_i = end_i - counts_i
    tiles_e = jnp.where(
        counts_i > 0, (end_i - 1) // _TB - start_i // _TB + 1, 0
    )
    sfirst_i = jnp.dot(
        tiles_e.astype(jnp.float32), ut_strict, preferred_element_type=jnp.float32
    ).astype(jnp.int32)
    total = jnp.sum(tiles_e, axis=1, keepdims=True)
    s_col = lax.broadcasted_iota(jnp.int32, (n_steps, e_count), 0)
    e_row = lax.broadcasted_iota(jnp.int32, (n_steps, e_count), 1)
    s_eff = jnp.minimum(s_col, total - 1)
    e_of = jnp.sum((sfirst_i <= s_eff).astype(jnp.int32), axis=1, keepdims=True) - 1
    e_oh = (e_of == e_row).astype(jnp.int32)
    sf_g = jnp.sum(e_oh * sfirst_i, axis=1, keepdims=True)
    st_g = jnp.sum(e_oh * start_i, axis=1, keepdims=True)
    en_g = jnp.sum(e_oh * end_i, axis=1, keepdims=True)
    s1 = lax.broadcasted_iota(jnp.int32, (n_steps, 1), 0)
    s1_eff = jnp.minimum(s1, total - 1)
    t_of = st_g // _TB + (s1_eff - sf_g)
    rs = jnp.maximum(st_g, t_of * _TB)
    re = jnp.minimum(en_g, (t_of + 1) * _TB)
    valid = s1 < total
    rs = jnp.where(valid, rs, 1)
    re = jnp.where(valid, re, 0)
    prev_t = jnp.concatenate(
        [jnp.full((1, 1), -1, jnp.int32), t_of[:-1, :]], axis=0
    )
    fst = (valid & (t_of != prev_t)).astype(jnp.int32)
    return e_of, t_of, rs, re, fst, start_i


def _router_body(
    x_ref, g_ref, b_ref, w1_ref, b1_ref, w2_ref, b2_ref,
    eid_ref, prank_ref, start_ref, me_ref, mt_ref, mrs_ref, mre_ref, mf_ref,
    run_ref, *, n_steps,
):
    @pl.when(pl.program_id(0) == 0)
    def _():
        run_ref[...] = jnp.zeros_like(run_ref)

    x = x_ref[...]
    mu = jnp.mean(x, axis=-1, keepdims=True)
    var = jnp.mean((x - mu) ** 2, axis=-1, keepdims=True)
    xn = (x - mu) / jnp.sqrt(var + 1e-5) * g_ref[...] + b_ref[...]
    rh = jnp.maximum(
        jnp.dot(xn, w1_ref[...], preferred_element_type=jnp.float32) + b1_ref[...],
        0.0,
    )
    logits = jnp.dot(rh, w2_ref[...], preferred_element_type=jnp.float32) + b2_ref[...]
    m = jnp.max(logits, axis=-1, keepdims=True)
    p = jnp.exp(logits - m)
    probs = p / jnp.sum(p, axis=-1, keepdims=True)
    e_count = probs.shape[-1]
    is_max = probs == jnp.max(probs, axis=-1, keepdims=True)
    idx = lax.broadcasted_iota(jnp.int32, probs.shape, 1)
    eid = jnp.min(jnp.where(is_max, idx, e_count), axis=-1, keepdims=True)
    eid_ref[...] = eid.astype(jnp.int32)

    oh = (eid == lax.broadcasted_iota(jnp.int32, (_TA, e_count), 1)).astype(
        jnp.float32
    )
    r_i = lax.broadcasted_iota(jnp.int32, (_TA, _TA), 0)
    c_i = lax.broadcasted_iota(jnp.int32, (_TA, _TA), 1)
    lt = (c_i < r_i).astype(jnp.float32)
    within = jnp.dot(lt, oh, preferred_element_type=jnp.float32)
    prank = jnp.sum(oh * (within + run_ref[...]), axis=-1, keepdims=True)
    prank_ref[...] = prank.astype(jnp.int32)
    run_new = run_ref[...] + jnp.sum(oh, axis=0, keepdims=True)
    run_ref[...] = run_new

    @pl.when(pl.program_id(0) == pl.num_programs(0) - 1)
    def _():
        e_of, t_of, m_rs, m_re, m_fst, start_i = _meta_math(run_new, n_steps)
        start_ref[...] = start_i
        me_ref[...] = e_of
        mt_ref[...] = t_of
        mrs_ref[...] = m_rs
        mre_ref[...] = m_re
        mf_ref[...] = m_fst


def _route(x, ln_gamma, ln_beta, Wr1, br1, Wr2, br2, n_experts, n_steps):
    n, d = x.shape
    hr = Wr1.shape[1]
    e = Wr2.shape[1]
    grid = (n // _TA,)
    outs = pl.pallas_call(
        functools.partial(_router_body, n_steps=n_steps),
        grid=grid,
        in_specs=[
            pl.BlockSpec((_TA, d), lambda i: (i, 0)),
            pl.BlockSpec((1, d), lambda i: (0, 0)),
            pl.BlockSpec((1, d), lambda i: (0, 0)),
            pl.BlockSpec((d, hr), lambda i: (0, 0)),
            pl.BlockSpec((1, hr), lambda i: (0, 0)),
            pl.BlockSpec((hr, e), lambda i: (0, 0)),
            pl.BlockSpec((1, e), lambda i: (0, 0)),
        ],
        out_specs=[
            pl.BlockSpec((_TA, 1), lambda i: (i, 0)),
            pl.BlockSpec((_TA, 1), lambda i: (i, 0)),
            pl.BlockSpec((1, e), lambda i: (0, 0)),
        ]
        + [pl.BlockSpec((n_steps, 1), lambda i: (0, 0))] * 5,
        out_shape=[
            jax.ShapeDtypeStruct((n, 1), jnp.int32),
            jax.ShapeDtypeStruct((n, 1), jnp.int32),
            jax.ShapeDtypeStruct((1, e), jnp.int32),
        ]
        + [jax.ShapeDtypeStruct((n_steps, 1), jnp.int32)] * 5,
        scratch_shapes=[pltpu.VMEM((1, n_experts), jnp.float32)],
    )(
        x,
        ln_gamma.reshape(1, d),
        ln_beta.reshape(1, d),
        Wr1,
        br1.reshape(1, hr),
        Wr2,
        br2.reshape(1, e),
    )
    eid2d, prank2d, start2d, me, mt, mrs, mre, mf = outs
    return (
        eid2d[:, 0], prank2d[:, 0], start2d,
        me[:, 0], mt[:, 0], mrs[:, 0], mre[:, 0], mf[:, 0],
    )


def _sc_scatter(rows, idx, n_out):
    n, d = rows.shape
    info = plsc.get_sparse_core_info()
    nw = info.num_cores * info.num_subcores
    b_per_w = n // nw
    mesh = plsc.VectorSubcoreMesh(core_axis_name="c", subcore_axis_name="s")

    @functools.partial(
        pl.kernel,
        mesh=mesh,
        out_type=jax.ShapeDtypeStruct((n_out, d), rows.dtype),
        scratch_types=[
            pltpu.VMEM((b_per_w,), jnp.int32),
            pltpu.VMEM((b_per_w, d), rows.dtype),
            pltpu.SemaphoreType.DMA,
        ],
    )
    def k(rows_hbm, idx_hbm, out_hbm, idx_v, rows_v, sem):
        wid = lax.axis_index("s") * info.num_cores + lax.axis_index("c")
        base = wid * b_per_w
        pltpu.sync_copy(idx_hbm.at[pl.ds(base, b_per_w)], idx_v)
        pltpu.sync_copy(rows_hbm.at[pl.ds(base, b_per_w)], rows_v)
        pltpu.async_copy(rows_v, out_hbm.at[idx_v], sem).wait()

    return k(rows, idx)


def _sc_gather(table, idx):
    n, d = table.shape
    info = plsc.get_sparse_core_info()
    nw = info.num_cores * info.num_subcores
    b_per_w = n // nw
    mesh = plsc.VectorSubcoreMesh(core_axis_name="c", subcore_axis_name="s")

    @functools.partial(
        pl.kernel,
        mesh=mesh,
        out_type=jax.ShapeDtypeStruct((n, d), table.dtype),
        scratch_types=[
            pltpu.VMEM((b_per_w,), jnp.int32),
            pltpu.VMEM((b_per_w, d), table.dtype),
            pltpu.SemaphoreType.DMA,
        ],
    )
    def k(table_hbm, idx_hbm, out_hbm, idx_v, rows_v, sem):
        wid = lax.axis_index("s") * info.num_cores + lax.axis_index("c")
        base = wid * b_per_w
        pltpu.sync_copy(idx_hbm.at[pl.ds(base, b_per_w)], idx_v)
        pltpu.async_copy(table_hbm.at[idx_v], rows_v, sem).wait()
        pltpu.sync_copy(rows_v, out_hbm.at[pl.ds(base, b_per_w)])

    return k(table, idx)


def _mlp_body(
    e_ref, t_ref, rs_ref, re_ref, fst_ref,
    xs_ref, g_ref, beta_ref, w1_ref, b1_ref, w2_ref, b2_ref, o_ref,
):
    s = pl.program_id(0)
    rs = rs_ref[s]
    re = re_ref[s]
    fst = fst_ref[s]
    t = t_ref[s]

    @pl.when(rs < re)
    def _():
        x = xs_ref[...]
        mu = jnp.mean(x, axis=-1, keepdims=True)
        var = jnp.mean((x - mu) ** 2, axis=-1, keepdims=True)
        xn = (x - mu) / jnp.sqrt(var + 1e-5) * g_ref[...] + beta_ref[...]
        h = jnp.maximum(
            jnp.dot(xn, w1_ref[0], preferred_element_type=jnp.float32) + b1_ref[0],
            0.0,
        )
        y = jnp.dot(h, w2_ref[0], preferred_element_type=jnp.float32) + b2_ref[0]
        rows = t * _TB + lax.broadcasted_iota(jnp.int32, (_TB, 1), 0)
        contrib = jnp.where((rows >= rs) & (rows < re), y, 0.0)

        @pl.when(fst == 1)
        def _():
            o_ref[...] = x + contrib

        @pl.when(fst == 0)
        def _():
            o_ref[...] = o_ref[...] + contrib


def _grouped_mlp(xs, ln_gamma, ln_beta, W1, b1, W2, b2, e_of, t_of, rs, re, fst):
    n, d = xs.shape
    e, _, h = W1.shape
    n_steps = e_of.shape[0]
    grid_spec = pltpu.PrefetchScalarGridSpec(
        num_scalar_prefetch=5,
        grid=(n_steps,),
        in_specs=[
            pl.BlockSpec((_TB, d), lambda s, ea, ta, ra, rb, fa: (ta[s], 0)),
            pl.BlockSpec((1, d), lambda s, ea, ta, ra, rb, fa: (0, 0)),
            pl.BlockSpec((1, d), lambda s, ea, ta, ra, rb, fa: (0, 0)),
            pl.BlockSpec((1, d, h), lambda s, ea, ta, ra, rb, fa: (ea[s], 0, 0)),
            pl.BlockSpec((1, 1, h), lambda s, ea, ta, ra, rb, fa: (ea[s], 0, 0)),
            pl.BlockSpec((1, h, d), lambda s, ea, ta, ra, rb, fa: (ea[s], 0, 0)),
            pl.BlockSpec((1, 1, d), lambda s, ea, ta, ra, rb, fa: (ea[s], 0, 0)),
        ],
        out_specs=pl.BlockSpec((_TB, d), lambda s, ea, ta, ra, rb, fa: (ta[s], 0)),
    )
    return pl.pallas_call(
        _mlp_body,
        grid_spec=grid_spec,
        out_shape=jax.ShapeDtypeStruct((n, d), jnp.float32),
    )(
        e_of, t_of, rs, re, fst,
        xs,
        ln_gamma.reshape(1, d),
        ln_beta.reshape(1, d),
        W1,
        b1.reshape(e, 1, h),
        W2,
        b2.reshape(e, 1, d),
    )


def kernel(x, ln_gamma, ln_beta, Wc, bc, Wr1, br1, Wr2, br2, W1, b1, W2, b2):
    del Wc, bc
    n_experts = W1.shape[0]
    n = x.shape[0]
    n_steps = n_experts + n // _TB

    eids, prank, start2d, e_of, t_of, rs, re, fst = _route(
        x, ln_gamma, ln_beta, Wr1, br1, Wr2, br2, n_experts, n_steps
    )

    oh = (
        eids[:, None] == jnp.arange(n_experts, dtype=jnp.int32)[None, :]
    ).astype(jnp.int32)
    dest = (jnp.sum(oh * start2d[0][None, :], axis=1) + prank).astype(jnp.int32)

    xs = _sc_scatter(x, dest, n)
    ys = _grouped_mlp(xs, ln_gamma, ln_beta, W1, b1, W2, b2, e_of, t_of, rs, re, fst)
    return _sc_gather(ys, dest)

# --- scband reference (transcript-rebuilt; emitter-appended) ---
"""Pipeline reference for scband-mo-elayer-with-skip-83691732730417 (READ-ONLY COPY).

The authoritative reference and input builder live on the scoring server;
editing this copy changes nothing except your own understanding.
"""

import jax, jax.numpy as jnp
import numpy as np

N = 2048
D = 768
H = 768
E = 64
TOPK = 1

def setup_inputs(seed: int = 0):
    key = jax.random.key(seed)
    ks = jax.random.split(key, 8)
    def w(k, shape, scale=0.02):
        return jax.random.normal(k, shape, dtype=jnp.float32) * scale
    return {
        "x": jax.random.normal(ks[0], (N, D), dtype=jnp.float32),
        "ln_gamma": jnp.ones((D,), jnp.float32),
        "ln_beta": jnp.zeros((D,), jnp.float32),
        "Wc": w(ks[1], (D, 1)),
        "bc": jnp.zeros((1,), jnp.float32),
        "Wr1": w(ks[2], (D, H // 2)),
        "br1": jnp.zeros((H // 2,), jnp.float32),
        "Wr2": w(ks[3], (H // 2, E)),
        "br2": jnp.zeros((E,), jnp.float32),
        "W1": w(ks[4], (E, D, H)),
        "b1": jnp.zeros((E, H), jnp.float32),
        "W2": w(ks[5], (E, H, D)),
        "b2": jnp.zeros((E, D), jnp.float32),
    }

def reference(x, ln_gamma, ln_beta, Wc, bc, Wr1, br1, Wr2, br2, W1, b1, W2, b2):
    n = x.shape[0]
    residual = x
    # LayerNorm (eps=1e-5, matching nn.LayerNorm)
    mu = jnp.mean(x, axis=-1, keepdims=True)
    var = jnp.mean((x - mu) ** 2, axis=-1, keepdims=True)
    xn = (x - mu) / jnp.sqrt(var + 1e-5) * ln_gamma + ln_beta
    # complexity estimator (computed in the torch forward; unused in eval / no-skip path)
    complexity_score = jax.nn.sigmoid(xn @ Wc + bc)
    # router: Linear -> ReLU -> Linear -> softmax
    rh = jax.nn.relu(xn @ Wr1 + br1)
    router_logits = rh @ Wr2 + br2
    router_probs = jax.nn.softmax(router_logits, axis=-1)
    vals, idx = jax.lax.top_k(router_probs, TOPK)
    vals = vals / jnp.sum(vals, axis=-1, keepdims=True)
    # scatter per-token expert weights into a dense [N, E] coefficient matrix
    coeff = jnp.zeros((n, E), dtype=x.dtype).at[jnp.arange(n)[:, None], idx].add(vals)
    # expert MLPs: Linear(D,H) -> ReLU -> Dropout(eval: identity) -> Linear(H,D)
    def body(carry, ew):
        W1e, b1e, W2e, b2e, ce = ew
        he = jax.nn.relu(xn @ W1e + b1e)
        oe = he @ W2e + b2e
        return carry + ce[:, None] * oe, None
    combined, _ = jax.lax.scan(body, jnp.zeros_like(x), (W1, b1, W2, b2, coeff.T))
    return residual + combined

if __name__ == "__main__":
    import jax
    _d = setup_inputs()
    print(jax.jit(kernel)(*tuple(_d.values())))

</pallas_src>

<mosaic_0001>
#map = affine_map<(d0, d1) -> (0, 0)>
#map1 = affine_map<(d0, d1) -> (0)>
module attributes {stable_mosaic.version = 14 : i64} {
  func.func @k(%arg0: i32, %arg1: i32, %arg2: memref<2048x768xf32, #tpu.memory_space<hbm>>, %arg3: memref<2048xi32, #tpu.memory_space<hbm>>, %arg4: memref<2048x768xf32, #tpu.memory_space<hbm>>, %arg5: memref<64xi32, #tpu.memory_space<vmem>>, %arg6: memref<64x768xf32, #tpu.memory_space<vmem>>, %arg7: memref<!tpu.dma_semaphore, #tpu.memory_space<semaphore_mem>>) attributes {dimension_semantics = [#tpu.dimension_semantics<core_parallel>, #tpu.dimension_semantics<subcore_parallel>], iteration_bounds = array<i64: 2, 16>, scalar_prefetch = 0 : i64, scratch_operands = 3 : i64, tpu.core_type = #tpu.core_type<sc_vector_subcore>, window_params = [{transform_indices = #map}, {transform_indices = #map1}, {transform_indices = #map}]} {
    %mul3A = arith.constant 2 : i32
    %mul3A_0 = arith.muli %arg1, %mul3A : i32
    %add3A = arith.addi %mul3A_0, %arg0 : i32
    %mul3A_1 = arith.constant 64 : i32
    %mul3A_2 = arith.muli %add3A, %mul3A_1 : i32
    "tpu.region"() ({
      %run_scoped3A = tpu.sem_alloc : memref<!tpu.dma_semaphore, #tpu.memory_space<semaphore_mem>>
      %dma_start3A_7 = tpu.memref_slice %arg3[%mul3A_2] : memref<2048xi32, #tpu.memory_space<hbm>> -> memref<64xi32, #tpu.memory_space<hbm>>
      %dma_start3A_8 = tpu.memref_slice %arg3[%mul3A_2] : memref<2048xi32, #tpu.memory_space<hbm>> -> memref<64xi32, #tpu.memory_space<hbm>>
      tpu.enqueue_dma source(%dma_start3A_8 : memref<64xi32, #tpu.memory_space<hbm>>) target(%arg5 : memref<64xi32, #tpu.memory_space<vmem>>) target_semaphore(%run_scoped3A : memref<!tpu.dma_semaphore, #tpu.memory_space<semaphore_mem>>)
      %dma_wait3A_9 = tpu.memref_slice %arg3[%mul3A_2] : memref<2048xi32, #tpu.memory_space<hbm>> -> memref<64xi32, #tpu.memory_space<hbm>>
      %dma_wait3A_10 = tpu.memref_slice %arg3[%mul3A_2] : memref<2048xi32, #tpu.memory_space<hbm>> -> memref<64xi32, #tpu.memory_space<hbm>>
      tpu.wait_dma2 semaphore(%run_scoped3A : memref<!tpu.dma_semaphore, #tpu.memory_space<semaphore_mem>>) src(%dma_wait3A_10 : memref<64xi32, #tpu.memory_space<hbm>>) dst(%arg5 : memref<64xi32, #tpu.memory_space<vmem>>)
      tpu.yield
    }) : () -> ()
    "tpu.region"() ({
      %run_scoped3A = tpu.sem_alloc : memref<!tpu.dma_semaphore, #tpu.memory_space<semaphore_mem>>
      %dma_start3A_7 = arith.constant 0 : i32
      %dma_start3A_8 = tpu.memref_slice %arg2[%mul3A_2, %dma_start3A_7] : memref<2048x768xf32, #tpu.memory_space<hbm>> -> memref<64x768xf32, #tpu.memory_space<hbm>>
      %dma_start3A_9 = arith.constant 0 : i32
      %dma_start3A_10 = tpu.memref_slice %arg2[%mul3A_2, %dma_start3A_9] : memref<2048x768xf32, #tpu.memory_space<hbm>> -> memref<64x768xf32, #tpu.memory_space<hbm>>
      tpu.enqueue_dma source(%dma_start3A_10 : memref<64x768xf32, #tpu.memory_space<hbm>>) target(%arg6 : memref<64x768xf32, #tpu.memory_space<vmem>>) target_semaphore(%run_scoped3A : memref<!tpu.dma_semaphore, #tpu.memory_space<semaphore_mem>>)
      %dma_wait3A_11 = arith.constant 0 : i32
      %dma_wait3A_12 = tpu.memref_slice %arg2[%mul3A_2, %dma_wait3A_11] : memref<2048x768xf32, #tpu.memory_space<hbm>> -> memref<64x768xf32, #tpu.memory_space<hbm>>
      %dma_wait3A_13 = arith.constant 0 : i32
      %dma_wait3A_14 = tpu.memref_slice %arg2[%mul3A_2, %dma_wait3A_13] : memref<2048x768xf32, #tpu.memory_space<hbm>> -> memref<64x768xf32, #tpu.memory_space<hbm>>
      tpu.wait_dma2 semaphore(%run_scoped3A : memref<!tpu.dma_semaphore, #tpu.memory_space<semaphore_mem>>) src(%dma_wait3A_14 : memref<64x768xf32, #tpu.memory_space<hbm>>) dst(%arg6 : memref<64x768xf32, #tpu.memory_space<vmem>>)
      tpu.yield
    }) : () -> ()
    %dma_start3A = arith.constant 0 : i32
    %dma_start3A_3 = arith.constant 0 : i32
    %dma_start3A_4 = tpu.memref_slice %arg4[%dma_start3A, %dma_start3A_3] : memref<2048x768xf32, #tpu.memory_space<hbm>> -> memref<2048x768xf32, #tpu.memory_space<hbm>>
    tpu.enqueue_indirect_dma source(%arg6 : memref<64x768xf32, #tpu.memory_space<vmem>>) target(%dma_start3A_4 : memref<2048x768xf32, #tpu.memory_space<hbm>>) offsets(%arg5 : memref<64xi32, #tpu.memory_space<vmem>>) semaphore(%arg7 : memref<!tpu.dma_semaphore, #tpu.memory_space<semaphore_mem>>)
    %dma_wait3A = arith.constant 0 : i32
    %dma_wait3A_5 = arith.constant 0 : i32
    %dma_wait3A_6 = tpu.memref_slice %arg4[%dma_wait3A, %dma_wait3A_5] : memref<2048x768xf32, #tpu.memory_space<hbm>> -> memref<2048x768xf32, #tpu.memory_space<hbm>>
    tpu.wait_indirect_dma semaphore(%arg7 : memref<!tpu.dma_semaphore, #tpu.memory_space<semaphore_mem>>) src(%arg6 : memref<64x768xf32, #tpu.memory_space<vmem>>) dst(%dma_wait3A_6 : memref<2048x768xf32, #tpu.memory_space<hbm>>)
    return
  }
}

#map = affine_map<(d0, d1) -> (0, 0)>
#map1 = affine_map<(d0, d1) -> (0)>
module attributes {stable_mosaic.version = 14 : i64} {
  func.func @k(%arg0: i32, %arg1: i32, %arg2: memref<2048x768xf32, #tpu.memory_space<hbm>>, %arg3: memref<2048xi32, #tpu.memory_space<hbm>>, %arg4: memref<2048x768xf32, #tpu.memory_space<hbm>>, %arg5: memref<64xi32, #tpu.memory_space<vmem>>, %arg6: memref<64x768xf32, #tpu.memory_space<vmem>>, %arg7: memref<!tpu.dma_semaphore, #tpu.memory_space<semaphore_mem>>) attributes {dimension_semantics = [#tpu.dimension_semantics<core_parallel>, #tpu.dimension_semantics<subcore_parallel>], iteration_bounds = array<i64: 2, 16>, scalar_prefetch = 0 : i64, scratch_operands = 3 : i64, tpu.core_type = #tpu.core_type<sc_vector_subcore>, window_params = [{transform_indices = #map}, {transform_indices = #map1}, {transform_indices = #map}]} {
    %mul3A = arith.constant 2 : i32
    %mul3A_0 = arith.muli %arg1, %mul3A : i32
    %add3A = arith.addi %mul3A_0, %arg0 : i32
    %mul3A_1 = arith.constant 64 : i32
    %mul3A_2 = arith.muli %add3A, %mul3A_1 : i32
    "tpu.region"() ({
      %run_scoped3A = tpu.sem_alloc : memref<!tpu.dma_semaphore, #tpu.memory_space<semaphore_mem>>
      %dma_start3A_7 = tpu.memref_slice %arg3[%mul3A_2] : memref<2048xi32, #tpu.memory_space<hbm>> -> memref<64xi32, #tpu.memory_space<hbm>>
      %dma_start3A_8 = tpu.memref_slice %arg3[%mul3A_2] : memref<2048xi32, #tpu.memory_space<hbm>> -> memref<64xi32, #tpu.memory_space<hbm>>
      tpu.enqueue_dma source(%dma_start3A_8 : memref<64xi32, #tpu.memory_space<hbm>>) target(%arg5 : memref<64xi32, #tpu.memory_space<vmem>>) target_semaphore(%run_scoped3A : memref<!tpu.dma_semaphore, #tpu.memory_space<semaphore_mem>>)
      %dma_wait3A_9 = tpu.memref_slice %arg3[%mul3A_2] : memref<2048xi32, #tpu.memory_space<hbm>> -> memref<64xi32, #tpu.memory_space<hbm>>
      %dma_wait3A_10 = tpu.memref_slice %arg3[%mul3A_2] : memref<2048xi32, #tpu.memory_space<hbm>> -> memref<64xi32, #tpu.memory_space<hbm>>
      tpu.wait_dma2 semaphore(%run_scoped3A : memref<!tpu.dma_semaphore, #tpu.memory_space<semaphore_mem>>) src(%dma_wait3A_10 : memref<64xi32, #tpu.memory_space<hbm>>) dst(%arg5 : memref<64xi32, #tpu.memory_space<vmem>>)
      tpu.yield
    }) : () -> ()
    %dma_start3A = arith.constant 0 : i32
    %dma_start3A_3 = arith.constant 0 : i32
    %dma_start3A_4 = tpu.memref_slice %arg2[%dma_start3A, %dma_start3A_3] : memref<2048x768xf32, #tpu.memory_space<hbm>> -> memref<2048x768xf32, #tpu.memory_space<hbm>>
    tpu.enqueue_indirect_dma source(%dma_start3A_4 : memref<2048x768xf32, #tpu.memory_space<hbm>>) target(%arg6 : memref<64x768xf32, #tpu.memory_space<vmem>>) offsets(%arg5 : memref<64xi32, #tpu.memory_space<vmem>>) semaphore(%arg7 : memref<!tpu.dma_semaphore, #tpu.memory_space<semaphore_mem>>)
    %dma_wait3A = arith.constant 0 : i32
    %dma_wait3A_5 = arith.constant 0 : i32
    %dma_wait3A_6 = tpu.memref_slice %arg2[%dma_wait3A, %dma_wait3A_5] : memref<2048x768xf32, #tpu.memory_space<hbm>> -> memref<2048x768xf32, #tpu.memory_space<hbm>>
    tpu.wait_indirect_dma semaphore(%arg7 : memref<!tpu.dma_semaphore, #tpu.memory_space<semaphore_mem>>) src(%dma_wait3A_6 : memref<2048x768xf32, #tpu.memory_space<hbm>>) dst(%arg6 : memref<64x768xf32, #tpu.memory_space<vmem>>)
    "tpu.region"() ({
      %run_scoped3A = tpu.sem_alloc : memref<!tpu.dma_semaphore, #tpu.memory_space<semaphore_mem>>
      %dma_start3A_7 = arith.constant 0 : i32
      %dma_start3A_8 = tpu.memref_slice %arg4[%mul3A_2, %dma_start3A_7] : memref<2048x768xf32, #tpu.memory_space<hbm>> -> memref<64x768xf32, #tpu.memory_space<hbm>>
      %dma_start3A_9 = arith.constant 0 : i32
      %dma_start3A_10 = tpu.memref_slice %arg4[%mul3A_2, %dma_start3A_9] : memref<2048x768xf32, #tpu.memory_space<hbm>> -> memref<64x768xf32, #tpu.memory_space<hbm>>
      tpu.enqueue_dma source(%arg6 : memref<64x768xf32, #tpu.memory_space<vmem>>) target(%dma_start3A_10 : memref<64x768xf32, #tpu.memory_space<hbm>>) target_semaphore(%run_scoped3A : memref<!tpu.dma_semaphore, #tpu.memory_space<semaphore_mem>>)
      %dma_wait3A_11 = arith.constant 0 : i32
      %dma_wait3A_12 = tpu.memref_slice %arg4[%mul3A_2, %dma_wait3A_11] : memref<2048x768xf32, #tpu.memory_space<hbm>> -> memref<64x768xf32, #tpu.memory_space<hbm>>
      %dma_wait3A_13 = arith.constant 0 : i32
      %dma_wait3A_14 = tpu.memref_slice %arg4[%mul3A_2, %dma_wait3A_13] : memref<2048x768xf32, #tpu.memory_space<hbm>> -> memref<64x768xf32, #tpu.memory_space<hbm>>
      tpu.wait_dma2 semaphore(%run_scoped3A : memref<!tpu.dma_semaphore, #tpu.memory_space<semaphore_mem>>) src(%arg6 : memref<64x768xf32, #tpu.memory_space<vmem>>) dst(%dma_wait3A_14 : memref<64x768xf32, #tpu.memory_space<hbm>>)
      tpu.yield
    }) : () -> ()
    return
  }
}

module attributes {stable_mosaic.version = 14 : i64} {
  func.func @_router_body(%arg0: i32, %arg1: memref<256x768xf32, #tpu.memory_space<vmem>>, %arg2: memref<1x768xf32, #tpu.memory_space<vmem>>, %arg3: memref<1x768xf32, #tpu.memory_space<vmem>>, %arg4: memref<768x384xf32, #tpu.memory_space<vmem>>, %arg5: memref<1x384xf32, #tpu.memory_space<vmem>>, %arg6: memref<384x64xf32, #tpu.memory_space<vmem>>, %arg7: memref<1x64xf32, #tpu.memory_space<vmem>>, %arg8: memref<256x1xi32, #tpu.memory_space<vmem>>, %arg9: memref<256x1xi32, #tpu.memory_space<vmem>>, %arg10: memref<1x64xi32, #tpu.memory_space<vmem>>, %arg11: memref<72x1xi32, #tpu.memory_space<vmem>>, %arg12: memref<72x1xi32, #tpu.memory_space<vmem>>, %arg13: memref<72x1xi32, #tpu.memory_space<vmem>>, %arg14: memref<72x1xi32, #tpu.memory_space<vmem>>, %arg15: memref<72x1xi32, #tpu.memory_space<vmem>>, %arg16: memref<1x64xf32, #tpu.memory_space<vmem>>) attributes {dimension_semantics = [#tpu.dimension_semantics<arbitrary>], iteration_bounds = array<i64: 8>, scalar_prefetch = 0 : i64, scratch_operands = 1 : i64, tpu.core_type = #tpu.core_type<tc>, window_params = [{transform_indices = @transform_0, window_bounds = array<i64: 256, 768>}, {pipeline_mode = #tpu.pipeline_mode<synchronous>, transform_indices = @transform_1, window_bounds = array<i64: 1, 768>}, {pipeline_mode = #tpu.pipeline_mode<synchronous>, transform_indices = @transform_2, window_bounds = array<i64: 1, 768>}, {pipeline_mode = #tpu.pipeline_mode<synchronous>, transform_indices = @transform_3, window_bounds = array<i64: 768, 384>}, {pipeline_mode = #tpu.pipeline_mode<synchronous>, transform_indices = @transform_4, window_bounds = array<i64: 1, 384>}, {pipeline_mode = #tpu.pipeline_mode<synchronous>, transform_indices = @transform_5, window_bounds = array<i64: 384, 64>}, {pipeline_mode = #tpu.pipeline_mode<synchronous>, transform_indices = @transform_6, window_bounds = array<i64: 1, 64>}, {transform_indices = @transform_7, window_bounds = array<i64: 256, 1>}, {transform_indices = @transform_8, window_bounds = array<i64: 256, 1>}, {pipeline_mode = #tpu.pipeline_mode<synchronous>, transform_indices = @transform_9, window_bounds = array<i64: 1, 64>}, {pipeline_mode = #tpu.pipeline_mode<synchronous>, transform_indices = @transform_10, window_bounds = array<i64: 72, 1>}, {pipeline_mode = #tpu.pipeline_mode<synchronous>, transform_indices = @transform_11, window_bounds = array<i64: 72, 1>}, {pipeline_mode = #tpu.pipeline_mode<synchronous>, transform_indices = @transform_12, window_bounds = array<i64: 72, 1>}, {pipeline_mode = #tpu.pipeline_mode<synchronous>, transform_indices = @transform_13, window_bounds = array<i64: 72, 1>}, {pipeline_mode = #tpu.pipeline_mode<synchronous>, transform_indices = @transform_14, window_bounds = array<i64: 72, 1>}]} {
    %eq3A = arith.constant 0 : i32
    %eq3A_0 = arith.cmpi eq, %arg0, %eq3A : i32
    %convert_element_type3A = arith.extui %eq3A_0 : i1 to i32
    %cond3A = arith.constant 0 : i32
    %cond3A_1 = arith.cmpi ne, %convert_element_type3A, %cond3A : i32
    scf.if %cond3A_1 {
      %broadcast_in_dim3A_108 = arith.constant 0.000000e+00 : f32
      %broadcast_in_dim3A_109 = vector.broadcast %broadcast_in_dim3A_108 : f32 to vector<1x64xf32>
      %swap3A_110 = arith.constant 0 : index
      %swap3A_111 = arith.constant 0 : index
      %swap3A_112 = vector.load %arg16[%swap3A_110, %swap3A_111] : memref<1x64xf32, #tpu.memory_space<vmem>>, vector<1x64xf32>
      tpu.vector_store %arg16[%swap3A_110, %swap3A_111], %broadcast_in_dim3A_109 {strides = array<i32>} : memref<1x64xf32, #tpu.memory_space<vmem>>, vector<1x64xf32>,
    } else {
    }
    %get3A = arith.constant 0 : index
    %get3A_2 = arith.constant 0 : index
    %get3A_3 = vector.load %arg1[%get3A, %get3A_2] : memref<256x768xf32, #tpu.memory_space<vmem>>, vector<256x768xf32>
    %reduce_sum3A = arith.constant dense<0.000000e+00> : vector<256xf32>
    %reduce_sum3A_4 = vector.multi_reduction <add>, %get3A_3, %reduce_sum3A [1] : vector<256x768xf32> to vector<256xf32>
    %broadcast_in_dim3A = vector.shape_cast %reduce_sum3A_4 : vector<256xf32> to vector<256x1xf32>
    %div3A = arith.constant 7.680000e+02 : f32
    %div3A_5 = vector.broadcast %div3A : f32 to vector<256x1xf32>
    %div3A_6 = arith.divf %broadcast_in_dim3A, %div3A_5 : vector<256x1xf32>
    %sub3A = vector.broadcast %div3A_6 : vector<256x1xf32> to vector<256x768xf32>
    %sub3A_7 = arith.subf %get3A_3, %sub3A : vector<256x768xf32>
    %integer_pow3A = arith.mulf %sub3A_7, %sub3A_7 : vector<256x768xf32>
    %reduce_sum3A_8 = arith.constant dense<0.000000e+00> : vector<256xf32>
    %reduce_sum3A_9 = vector.multi_reduction <add>, %integer_pow3A, %reduce_sum3A_8 [1] : vector<256x768xf32> to vector<256xf32>
    %broadcast_in_dim3A_10 = vector.shape_cast %reduce_sum3A_9 : vector<256xf32> to vector<256x1xf32>
    %div3A_11 = arith.constant 7.680000e+02 : f32
    %div3A_12 = vector.broadcast %div3A_11 : f32 to vector<256x1xf32>
    %div3A_13 = arith.divf %broadcast_in_dim3A_10, %div3A_12 : vector<256x1xf32>
    %sub3A_14 = vector.broadcast %div3A_6 : vector<256x1xf32> to vector<256x768xf32>
    %sub3A_15 = arith.subf %get3A_3, %sub3A_14 : vector<256x768xf32>
    %add3A = arith.constant 9.99999974E-6 : f32
    %add3A_16 = vector.broadcast %add3A : f32 to vector<256x1xf32>
    %add3A_17 = arith.addf %div3A_13, %add3A_16 : vector<256x1xf32>
    %sqrt3A = math.sqrt %add3A_17 : vector<256x1xf32>
    %div3A_18 = vector.broadcast %sqrt3A : vector<256x1xf32> to vector<256x768xf32>
    %div3A_19 = arith.divf %sub3A_15, %div3A_18 : vector<256x768xf32>
    %get3A_20 = arith.constant 0 : index
    %get3A_21 = arith.constant 0 : index
    %get3A_22 = vector.load %arg2[%get3A_20, %get3A_21] : memref<1x768xf32, #tpu.memory_space<vmem>>, vector<1x768xf32>
    %mul3A = vector.broadcast %get3A_22 : vector<1x768xf32> to vector<256x768xf32>
    %mul3A_23 = arith.mulf %div3A_19, %mul3A : vector<256x768xf32>
    %get3A_24 = arith.constant 0 : index
    %get3A_25 = arith.constant 0 : index
    %get3A_26 = vector.load %arg3[%get3A_24, %get3A_25] : memref<1x768xf32, #tpu.memory_space<vmem>>, vector<1x768xf32>
    %add3A_27 = vector.broadcast %get3A_26 : vector<1x768xf32> to vector<256x768xf32>
    %add3A_28 = arith.addf %mul3A_23, %add3A_27 : vector<256x768xf32>
    %get3A_29 = arith.constant 0 : index
    %get3A_30 = arith.constant 0 : index
    %get3A_31 = vector.load %arg4[%get3A_29, %get3A_30] : memref<768x384xf32, #tpu.memory_space<vmem>>, vector<768x384xf32>
    %dot_general3A = arith.constant dense<0.000000e+00> : vector<256x384xf32>
    %dot_general3A_32 = tpu.matmul %add3A_28, %get3A_31, %dot_general3A {dimension_numbers = #tpu.dot_dimension_numbers<[1], [0], [0], [1], [0, 0, 1, 1], [], []>, transpose_lhs_hint = false} : vector<256x768xf32>, vector<768x384xf32>, vector<256x384xf32> -> vector<256x384xf32>
    %get3A_33 = arith.constant 0 : index
    %get3A_34 = arith.constant 0 : index
    %get3A_35 = vector.load %arg5[%get3A_33, %get3A_34] : memref<1x384xf32, #tpu.memory_space<vmem>>, vector<1x384xf32>
    %add3A_36 = vector.broadcast %get3A_35 : vector<1x384xf32> to vector<256x384xf32>
    %add3A_37 = arith.addf %dot_general3A_32, %add3A_36 : vector<256x384xf32>
    %max3A = arith.constant 0.000000e+00 : f32
    %max3A_38 = vector.broadcast %max3A : f32 to vector<256x384xf32>
    %max3A_39 = arith.maximumf %add3A_37, %max3A_38 : vector<256x384xf32>
    %get3A_40 = arith.constant 0 : index
    %get3A_41 = arith.constant 0 : index
    %get3A_42 = vector.load %arg6[%get3A_40, %get3A_41] : memref<384x64xf32, #tpu.memory_space<vmem>>, vector<384x64xf32>
    %dot_general3A_43 = arith.constant dense<0.000000e+00> : vector<256x64xf32>
    %dot_general3A_44 = tpu.matmul %max3A_39, %get3A_42, %dot_general3A_43 {dimension_numbers = #tpu.dot_dimension_numbers<[1], [0], [0], [1], [0, 0, 1, 1], [], []>, transpose_lhs_hint = false} : vector<256x384xf32>, vector<384x64xf32>, vector<256x64xf32> -> vector<256x64xf32>
    %get3A_45 = arith.constant 0 : index
    %get3A_46 = arith.constant 0 : index
    %get3A_47 = vector.load %arg7[%get3A_45, %get3A_46] : memref<1x64xf32, #tpu.memory_space<vmem>>, vector<1x64xf32>
    %add3A_48 = vector.broadcast %get3A_47 : vector<1x64xf32> to vector<256x64xf32>
    %add3A_49 = arith.addf %dot_general3A_44, %add3A_48 : vector<256x64xf32>
    %reduce_max3A = arith.constant dense<0xFF800000> : vector<256xf32>
    %reduce_max3A_50 = vector.multi_reduction <maximumf>, %add3A_49, %reduce_max3A [1] : vector<256x64xf32> to vector<256xf32>
    %broadcast_in_dim3A_51 = vector.shape_cast %reduce_max3A_50 : vector<256xf32> to vector<256x1xf32>
    %sub3A_52 = vector.broadcast %broadcast_in_dim3A_51 : vector<256x1xf32> to vector<256x64xf32>
    %sub3A_53 = arith.subf %add3A_49, %sub3A_52 : vector<256x64xf32>
    %exp3A = math.exp %sub3A_53 : vector<256x64xf32>
    %reduce_sum3A_54 = arith.constant dense<0.000000e+00> : vector<256xf32>
    %reduce_sum3A_55 = vector.multi_reduction <add>, %exp3A, %reduce_sum3A_54 [1] : vector<256x64xf32> to vector<256xf32>
    %broadcast_in_dim3A_56 = vector.shape_cast %reduce_sum3A_55 : vector<256xf32> to vector<256x1xf32>
    %div3A_57 = vector.broadcast %broadcast_in_dim3A_56 : vector<256x1xf32> to vector<256x64xf32>
    %div3A_58 = arith.divf %exp3A, %div3A_57 : vector<256x64xf32>
    %reduce_max3A_59 = arith.constant dense<0xFF800000> : vector<256xf32>
    %reduce_max3A_60 = vector.multi_reduction <maximumf>, %div3A_58, %reduce_max3A_59 [1] : vector<256x64xf32> to vector<256xf32>
    %broadcast_in_dim3A_61 = vector.shape_cast %reduce_max3A_60 : vector<256xf32> to vector<256x1xf32>
    %eq3A_62 = vector.broadcast %broadcast_in_dim3A_61 : vector<256x1xf32> to vector<256x64xf32>
    %eq3A_63 = arith.cmpf oeq, %div3A_58, %eq3A_62 : vector<256x64xf32>
    %iota3A = tpu.iota {dimensions = array<i32: 1>} : vector<256x64xi32>
    %jit3A = arith.constant 64 : i32
    %broadcast_in_dim3A_64 = vector.broadcast %jit3A : i32 to vector<256x64xi32>
    %select_n3A = arith.select %eq3A_63, %iota3A, %broadcast_in_dim3A_64 : vector<256x64xi1>, vector<256x64xi32>
    %reduce_min3A = arith.constant dense<2147483647> : vector<256xi32>
    %reduce_min3A_65 = vector.multi_reduction <minsi>, %select_n3A, %reduce_min3A [1] : vector<256x64xi32> to vector<256xi32>
    %broadcast_in_dim3A_66 = vector.shape_cast %reduce_min3A_65 : vector<256xi32> to vector<256x1xi32>
    %swap3A = arith.constant 0 : index
    %swap3A_67 = arith.constant 0 : index
    %swap3A_68 = vector.load %arg8[%swap3A, %swap3A_67] : memref<256x1xi32, #tpu.memory_space<vmem>>, vector<256x1xi32>
    tpu.vector_store %arg8[%swap3A, %swap3A_67], %broadcast_in_dim3A_66 {strides = array<i32>} : memref<256x1xi32, #tpu.memory_space<vmem>>, vector<256x1xi32>,
    %iota3A_69 = tpu.iota {dimensions = array<i32: 1>} : vector<256x64xi32>
    %eq3A_70 = vector.broadcast %broadcast_in_dim3A_66 : vector<256x1xi32> to vector<256x64xi32>
    %eq3A_71 = arith.cmpi eq, %eq3A_70, %iota3A_69 : vector<256x64xi32>
    %convert_element_type3A_72 = arith.extui %eq3A_71 : vector<256x64xi1> to vector<256x64xi32>
    %convert_element_type3A_73 = arith.sitofp %convert_element_type3A_72 : vector<256x64xi32> to vector<256x64xf32>
    %iota3A_74 = tpu.iota {dimensions = array<i32: 0>} : vector<256x256xi32>
    %iota3A_75 = tpu.iota {dimensions = array<i32: 1>} : vector<256x256xi32>
    %lt3A = arith.cmpi slt, %iota3A_75, %iota3A_74 : vector<256x256xi32>
    %convert_element_type3A_76 = arith.extui %lt3A : vector<256x256xi1> to vector<256x256xi32>
    %convert_element_type3A_77 = arith.sitofp %convert_element_type3A_76 : vector<256x256xi32> to vector<256x256xf32>
    %dot_general3A_78 = arith.constant dense<0.000000e+00> : vector<256x64xf32>
    %dot_general3A_79 = tpu.matmul %convert_element_type3A_77, %convert_element_type3A_73, %dot_general3A_78 {dimension_numbers = #tpu.dot_dimension_numbers<[1], [0], [0], [1], [0, 0, 1, 1], [], []>, transpose_lhs_hint = false} : vector<256x256xf32>, vector<256x64xf32>, vector<256x64xf32> -> vector<256x64xf32>
    %get3A_80 = arith.constant 0 : index
    %get3A_81 = arith.constant 0 : index
    %get3A_82 = vector.load %arg16[%get3A_80, %get3A_81] : memref<1x64xf32, #tpu.memory_space<vmem>>, vector<1x64xf32>
    %add3A_83 = vector.broadcast %get3A_82 : vector<1x64xf32> to vector<256x64xf32>
    %add3A_84 = arith.addf %dot_general3A_79, %add3A_83 : vector<256x64xf32>
    %mul3A_85 = arith.mulf %convert_element_type3A_73, %add3A_84 : vector<256x64xf32>
    %reduce_sum3A_86 = arith.constant dense<0.000000e+00> : vector<256xf32>
    %reduce_sum3A_87 = vector.multi_reduction <add>, %mul3A_85, %reduce_sum3A_86 [1] : vector<256x64xf32> to vector<256xf32>
    %broadcast_in_dim3A_88 = vector.shape_cast %reduce_sum3A_87 : vector<256xf32> to vector<256x1xf32>
    %convert_element_type3A_89 = arith.fptosi %broadcast_in_dim3A_88 : vector<256x1xf32> to vector<256x1xi32>
    %swap3A_90 = arith.constant 0 : index
    %swap3A_91 = arith.constant 0 : index
    %swap3A_92 = vector.load %arg9[%swap3A_90, %swap3A_91] : memref<256x1xi32, #tpu.memory_space<vmem>>, vector<256x1xi32>
    tpu.vector_store %arg9[%swap3A_90, %swap3A_91], %convert_element_type3A_89 {strides = array<i32>} : memref<256x1xi32, #tpu.memory_space<vmem>>, vector<256x1xi32>,
    %get3A_93 = arith.constant 0 : index
    %get3A_94 = arith.constant 0 : index
    %get3A_95 = vector.load %arg16[%get3A_93, %get3A_94] : memref<1x64xf32, #tpu.memory_space<vmem>>, vector<1x64xf32>
    %reduce_sum3A_96 = arith.constant dense<0.000000e+00> : vector<64xf32>
    %reduce_sum3A_97 = vector.multi_reduction <add>, %convert_element_type3A_73, %reduce_sum3A_96 [0] : vector<256x64xf32> to vector<64xf32>
    %broadcast_in_dim3A_98 = vector.shape_cast %reduce_sum3A_97 : vector<64xf32> to vector<1x64xf32>
    %add3A_99 = arith.addf %get3A_95, %broadcast_in_dim3A_98 : vector<1x64xf32>
    %swap3A_100 = arith.constant 0 : index
    %swap3A_101 = arith.constant 0 : index
    %swap3A_102 = vector.load %arg16[%swap3A_100, %swap3A_101] : memref<1x64xf32, #tpu.memory_space<vmem>>, vector<1x64xf32>
    tpu.vector_store %arg16[%swap3A_100, %swap3A_101], %add3A_99 {strides = array<i32>} : memref<1x64xf32, #tpu.memory_space<vmem>>, vector<1x64xf32>,
    %eq3A_103 = arith.constant 7 : i32
    %eq3A_104 = arith.cmpi eq, %arg0, %eq3A_103 : i32
    %convert_element_type3A_105 = arith.extui %eq3A_104 : i1 to i32
    %cond3A_106 = arith.constant 0 : i32
    %cond3A_107 = arith.cmpi ne, %convert_element_type3A_105, %cond3A_106 : i32
    scf.if %cond3A_107 {
      %iota3A_108 = tpu.iota {dimensions = array<i32: 0>} : vector<64x64xi32>
      %iota3A_109 = tpu.iota {dimensions = array<i32: 1>} : vector<64x64xi32>
      %le3A = arith.cmpi sle, %iota3A_108, %iota3A_109 : vector<64x64xi32>
      %convert_element_type3A_110 = arith.extui %le3A : vector<64x64xi1> to vector<64x64xi32>
      %convert_element_type3A_111 = arith.sitofp %convert_element_type3A_110 : vector<64x64xi32> to vector<64x64xf32>
      %lt3A_112 = arith.cmpi slt, %iota3A_108, %iota3A_109 : vector<64x64xi32>
      %convert_element_type3A_113 = arith.extui %lt3A_112 : vector<64x64xi1> to vector<64x64xi32>
      %convert_element_type3A_114 = arith.sitofp %convert_element_type3A_113 : vector<64x64xi32> to vector<64x64xf32>
      %dot_general3A_115 = arith.constant dense<0.000000e+00> : vector<1x64xf32>
      %dot_general3A_116 = tpu.matmul %add3A_99, %convert_element_type3A_111, %dot_general3A_115 {dimension_numbers = #tpu.dot_dimension_numbers<[1], [0], [0], [1], [0, 0, 1, 1], [], []>, transpose_lhs_hint = false} : vector<1x64xf32>, vector<64x64xf32>, vector<1x64xf32> -> vector<1x64xf32>
      %convert_element_type3A_117 = arith.fptosi %dot_general3A_116 : vector<1x64xf32> to vector<1x64xi32>
      %convert_element_type3A_118 = arith.fptosi %add3A_99 : vector<1x64xf32> to vector<1x64xi32>
      %sub3A_119 = arith.subi %convert_element_type3A_117, %convert_element_type3A_118 : vector<1x64xi32>
      %gt3A = arith.constant 0 : i32
      %gt3A_120 = vector.broadcast %gt3A : i32 to vector<1x64xi32>
      %gt3A_121 = arith.cmpi sgt, %convert_element_type3A_118, %gt3A_120 : vector<1x64xi32>
      %sub3A_122 = arith.constant 1 : i32
      %sub3A_123 = vector.broadcast %sub3A_122 : i32 to vector<1x64xi32>
      %sub3A_124 = arith.subi %convert_element_type3A_117, %sub3A_123 : vector<1x64xi32>
      %jit3A_125 = arith.constant 256 : i32
      %div3A_126 = vector.broadcast %jit3A_125 : i32 to vector<1x64xi32>
      %div3A_127 = arith.divsi %sub3A_124, %div3A_126 : vector<1x64xi32>
      %sign3A = arith.constant 0 : i32
      %sign3A_128 = vector.broadcast %sign3A : i32 to vector<1x64xi32>
      %sign3A_129 = arith.cmpi sgt, %sub3A_124, %sign3A_128 : vector<1x64xi32>
      %sign3A_130 = arith.extui %sign3A_129 : vector<1x64xi1> to vector<1x64xi32>
      %sign3A_131 = arith.constant 0 : i32
      %sign3A_132 = vector.broadcast %sign3A_131 : i32 to vector<1x64xi32>
      %sign3A_133 = arith.cmpi slt, %sub3A_124, %sign3A_132 : vector<1x64xi32>
      %sign3A_134 = arith.extui %sign3A_133 : vector<1x64xi1> to vector<1x64xi32>
      %sign3A_135 = arith.subi %sign3A_130, %sign3A_134 : vector<1x64xi32>
      %sign3A_136 = arith.constant 0 : i32
      %sign3A_137 = arith.cmpi sgt, %jit3A_125, %sign3A_136 : i32
      %sign3A_138 = arith.extui %sign3A_137 : i1 to i32
      %sign3A_139 = arith.constant 0 : i32
      %sign3A_140 = arith.cmpi slt, %jit3A_125, %sign3A_139 : i32
      %sign3A_141 = arith.extui %sign3A_140 : i1 to i32
      %sign3A_142 = arith.subi %sign3A_138, %sign3A_141 : i32
      %ne3A = vector.broadcast %sign3A_142 : i32 to vector<1x64xi32>
      %ne3A_143 = arith.cmpi ne, %sign3A_135, %ne3A : vector<1x64xi32>
      %rem3A = vector.broadcast %jit3A_125 : i32 to vector<1x64xi32>
      %rem3A_144 = arith.remsi %sub3A_124, %rem3A : vector<1x64xi32>
      %ne3A_145 = arith.constant 0 : i32
      %ne3A_146 = vector.broadcast %ne3A_145 : i32 to vector<1x64xi32>
      %ne3A_147 = arith.cmpi ne, %rem3A_144, %ne3A_146 : vector<1x64xi32>
      %and3A = arith.andi %ne3A_143, %ne3A_147 : vector<1x64xi1>
      %sub3A_148 = arith.constant 1 : i32
      %sub3A_149 = vector.broadcast %sub3A_148 : i32 to vector<1x64xi32>
      %sub3A_150 = arith.subi %div3A_127, %sub3A_149 : vector<1x64xi32>
      %select_n3A_151 = arith.select %and3A, %sub3A_150, %div3A_127 : vector<1x64xi1>, vector<1x64xi32>
      %jit3A_152 = arith.constant 256 : i32
      %div3A_153 = vector.broadcast %jit3A_152 : i32 to vector<1x64xi32>
      %div3A_154 = arith.divsi %sub3A_119, %div3A_153 : vector<1x64xi32>
      %sign3A_155 = arith.constant 0 : i32
      %sign3A_156 = vector.broadcast %sign3A_155 : i32 to vector<1x64xi32>
      %sign3A_157 = arith.cmpi sgt, %sub3A_119, %sign3A_156 : vector<1x64xi32>
      %sign3A_158 = arith.extui %sign3A_157 : vector<1x64xi1> to vector<1x64xi32>
      %sign3A_159 = arith.constant 0 : i32
      %sign3A_160 = vector.broadcast %sign3A_159 : i32 to vector<1x64xi32>
      %sign3A_161 = arith.cmpi slt, %sub3A_119, %sign3A_160 : vector<1x64xi32>
      %sign3A_162 = arith.extui %sign3A_161 : vector<1x64xi1> to vector<1x64xi32>
      %sign3A_163 = arith.subi %sign3A_158, %sign3A_162 : vector<1x64xi32>
      %sign3A_164 = arith.constant 0 : i32
      %sign3A_165 = arith.cmpi sgt, %jit3A_152, %sign3A_164 : i32
      %sign3A_166 = arith.extui %sign3A_165 : i1 to i32
      %sign3A_167 = arith.constant 0 : i32
      %sign3A_168 = arith.cmpi slt, %jit3A_152, %sign3A_167 : i32
      %sign3A_169 = arith.extui %sign3A_168 : i1 to i32
      %sign3A_170 = arith.subi %sign3A_166, %sign3A_169 : i32
      %ne3A_171 = vector.broadcast %sign3A_170 : i32 to vector<1x64xi32>
      %ne3A_172 = arith.cmpi ne, %sign3A_163, %ne3A_171 : vector<1x64xi32>
      %rem3A_173 = vector.broadcast %jit3A_152 : i32 to vector<1x64xi32>
      %rem3A_174 = arith.remsi %sub3A_119, %rem3A_173 : vector<1x64xi32>
      %ne3A_175 = arith.constant 0 : i32
      %ne3A_176 = vector.broadcast %ne3A_175 : i32 to vector<1x64xi32>
      %ne3A_177 = arith.cmpi ne, %rem3A_174, %ne3A_176 : vector<1x64xi32>
      %and3A_178 = arith.andi %ne3A_172, %ne3A_177 : vector<1x64xi1>
      %sub3A_179 = arith.constant 1 : i32
      %sub3A_180 = vector.broadcast %sub3A_179 : i32 to vector<1x64xi32>
      %sub3A_181 = arith.subi %div3A_154, %sub3A_180 : vector<1x64xi32>
      %select_n3A_182 = arith.select %and3A_178, %sub3A_181, %div3A_154 : vector<1x64xi1>, vector<1x64xi32>
      %sub3A_183 = arith.subi %select_n3A_151, %select_n3A_182 : vector<1x64xi32>
      %add3A_184 = arith.constant 1 : i32
      %add3A_185 = vector.broadcast %add3A_184 : i32 to vector<1x64xi32>
      %add3A_186 = arith.addi %sub3A_183, %add3A_185 : vector<1x64xi32>
      %jit3A_187 = arith.constant 0 : i32
      %broadcast_in_dim3A_188 = vector.broadcast %jit3A_187 : i32 to vector<1x64xi32>
      %select_n3A_189 = arith.select %gt3A_121, %add3A_186, %broadcast_in_dim3A_188 : vector<1x64xi1>, vector<1x64xi32>
      %convert_element_type3A_190 = arith.sitofp %select_n3A_189 : vector<1x64xi32> to vector<1x64xf32>
      %dot_general3A_191 = arith.constant dense<0.000000e+00> : vector<1x64xf32>
      %dot_general3A_192 = tpu.matmul %convert_element_type3A_190, %convert_element_type3A_114, %dot_general3A_191 {dimension_numbers = #tpu.dot_dimension_numbers<[1], [0], [0], [1], [0, 0, 1, 1], [], []>, transpose_lhs_hint = false} : vector<1x64xf32>, vector<64x64xf32>, vector<1x64xf32> -> vector<1x64xf32>
      %convert_element_type3A_193 = arith.fptosi %dot_general3A_192 : vector<1x64xf32> to vector<1x64xi32>
      %reduce_sum3A_194 = arith.constant dense<0> : vector<1xi32>
      %reduce_sum3A_195 = vector.multi_reduction <add>, %select_n3A_189, %reduce_sum3A_194 [1] : vector<1x64xi32> to vector<1xi32>
      %broadcast_in_dim3A_196 = vector.shape_cast %reduce_sum3A_195 : vector<1xi32> to vector<1x1xi32>
      %iota3A_197 = tpu.iota {dimensions = array<i32: 0>} : vector<72x64xi32>
      %iota3A_198 = tpu.iota {dimensions = array<i32: 1>} : vector<72x64xi32>
      %sub3A_199 = arith.constant 1 : i32
      %sub3A_200 = vector.broadcast %sub3A_199 : i32 to vector<1x1xi32>
      %sub3A_201 = arith.subi %broadcast_in_dim3A_196, %sub3A_200 : vector<1x1xi32>
      %min3A = vector.broadcast %sub3A_201 : vector<1x1xi32> to vector<72x64xi32>
      %min3A_202 = arith.minsi %iota3A_197, %min3A : vector<72x64xi32>
      %le3A_203 = vector.broadcast %convert_element_type3A_193 : vector<1x64xi32> to vector<72x64xi32>
      %le3A_204 = arith.cmpi sle, %le3A_203, %min3A_202 : vector<72x64xi32>
      %convert_element_type3A_205 = arith.extui %le3A_204 : vector<72x64xi1> to vector<72x64xi32>
      %reduce_sum3A_206 = arith.constant dense<0> : vector<72xi32>
      %reduce_sum3A_207 = vector.multi_reduction <add>, %convert_element_type3A_205, %reduce_sum3A_206 [1] : vector<72x64xi32> to vector<72xi32>
      %broadcast_in_dim3A_208 = vector.shape_cast %reduce_sum3A_207 : vector<72xi32> to vector<72x1xi32>
      %sub3A_209 = arith.constant 1 : i32
      %sub3A_210 = vector.broadcast %sub3A_209 : i32 to vector<72x1xi32>
      %sub3A_211 = arith.subi %broadcast_in_dim3A_208, %sub3A_210 : vector<72x1xi32>
      %eq3A_212 = vector.broadcast %sub3A_211 : vector<72x1xi32> to vector<72x64xi32>
      %eq3A_213 = arith.cmpi eq, %eq3A_212, %iota3A_198 : vector<72x64xi32>
      %convert_element_type3A_214 = arith.extui %eq3A_213 : vector<72x64xi1> to vector<72x64xi32>
      %mul3A_215 = vector.broadcast %convert_element_type3A_193 : vector<1x64xi32> to vector<72x64xi32>
      %mul3A_216 = arith.muli %convert_element_type3A_214, %mul3A_215 : vector<72x64xi32>
      %reduce_sum3A_217 = arith.constant dense<0> : vector<72xi32>
      %reduce_sum3A_218 = vector.multi_reduction <add>, %mul3A_216, %reduce_sum3A_217 [1] : vector<72x64xi32> to vector<72xi32>
      %broadcast_in_dim3A_219 = vector.shape_cast %reduce_sum3A_218 : vector<72xi32> to vector<72x1xi32>
      %mul3A_220 = vector.broadcast %sub3A_119 : vector<1x64xi32> to vector<72x64xi32>
      %mul3A_221 = arith.muli %convert_element_type3A_214, %mul3A_220 : vector<72x64xi32>
      %reduce_sum3A_222 = arith.constant dense<0> : vector<72xi32>
      %reduce_sum3A_223 = vector.multi_reduction <add>, %mul3A_221, %reduce_sum3A_222 [1] : vector<72x64xi32> to vector<72xi32>
      %broadcast_in_dim3A_224 = vector.shape_cast %reduce_sum3A_223 : vector<72xi32> to vector<72x1xi32>
      %mul3A_225 = vector.broadcast %convert_element_type3A_117 : vector<1x64xi32> to vector<72x64xi32>
      %mul3A_226 = arith.muli %convert_element_type3A_214, %mul3A_225 : vector<72x64xi32>
      %reduce_sum3A_227 = arith.constant dense<0> : vector<72xi32>
      %reduce_sum3A_228 = vector.multi_reduction <add>, %mul3A_226, %reduce_sum3A_227 [1] : vector<72x64xi32> to vector<72xi32>
      %broadcast_in_dim3A_229 = vector.shape_cast %reduce_sum3A_228 : vector<72xi32> to vector<72x1xi32>
      %iota3A_230 = tpu.iota {dimensions = array<i32: 0>} : vector<72x1xi32>
      %sub3A_231 = arith.constant 1 : i32
      %sub3A_232 = vector.broadcast %sub3A_231 : i32 to vector<1x1xi32>
      %sub3A_233 = arith.subi %broadcast_in_dim3A_196, %sub3A_232 : vector<1x1xi32>
      %min3A_234 = vector.broadcast %sub3A_233 : vector<1x1xi32> to vector<72x1xi32>
      %min3A_235 = arith.minsi %iota3A_230, %min3A_234 : vector<72x1xi32>
      %jit3A_236 = arith.constant 256 : i32
      %div3A_237 = vector.broadcast %jit3A_236 : i32 to vector<72x1xi32>
      %div3A_238 = arith.divsi %broadcast_in_dim3A_224, %div3A_237 : vector<72x1xi32>
      %sign3A_239 = arith.constant 0 : i32
      %sign3A_240 = vector.broadcast %sign3A_239 : i32 to vector<72x1xi32>
      %sign3A_241 = arith.cmpi sgt, %broadcast_in_dim3A_224, %sign3A_240 : vector<72x1xi32>
      %sign3A_242 = arith.extui %sign3A_241 : vector<72x1xi1> to vector<72x1xi32>
      %sign3A_243 = arith.constant 0 : i32
      %sign3A_244 = vector.broadcast %sign3A_243 : i32 to vector<72x1xi32>
      %sign3A_245 = arith.cmpi slt, %broadcast_in_dim3A_224, %sign3A_244 : vector<72x1xi32>
      %sign3A_246 = arith.extui %sign3A_245 : vector<72x1xi1> to vector<72x1xi32>
      %sign3A_247 = arith.subi %sign3A_242, %sign3A_246 : vector<72x1xi32>
      %sign3A_248 = arith.constant 0 : i32
      %sign3A_249 = arith.cmpi sgt, %jit3A_236, %sign3A_248 : i32
      %sign3A_250 = arith.extui %sign3A_249 : i1 to i32
      %sign3A_251 = arith.constant 0 : i32
      %sign3A_252 = arith.cmpi slt, %jit3A_236, %sign3A_251 : i32
      %sign3A_253 = arith.extui %sign3A_252 : i1 to i32
      %sign3A_254 = arith.subi %sign3A_250, %sign3A_253 : i32
      %ne3A_255 = vector.broadcast %sign3A_254 : i32 to vector<72x1xi32>
      %ne3A_256 = arith.cmpi ne, %sign3A_247, %ne3A_255 : vector<72x1xi32>
      %rem3A_257 = vector.broadcast %jit3A_236 : i32 to vector<72x1xi32>
      %rem3A_258 = arith.remsi %broadcast_in_dim3A_224, %rem3A_257 : vector<72x1xi32>
      %ne3A_259 = arith.constant 0 : i32
      %ne3A_260 = vector.broadcast %ne3A_259 : i32 to vector<72x1xi32>
      %ne3A_261 = arith.cmpi ne, %rem3A_258, %ne3A_260 : vector<72x1xi32>
      %and3A_262 = arith.andi %ne3A_256, %ne3A_261 : vector<72x1xi1>
      %sub3A_263 = arith.constant 1 : i32
      %sub3A_264 = vector.broadcast %sub3A_263 : i32 to vector<72x1xi32>
      %sub3A_265 = arith.subi %div3A_238, %sub3A_264 : vector<72x1xi32>
      %select_n3A_266 = arith.select %and3A_262, %sub3A_265, %div3A_238 : vector<72x1xi1>, vector<72x1xi32>
      %sub3A_267 = arith.subi %min3A_235, %broadcast_in_dim3A_219 : vector<72x1xi32>
      %add3A_268 = arith.addi %select_n3A_266, %sub3A_267 : vector<72x1xi32>
      %mul3A_269 = arith.constant 256 : i32
      %mul3A_270 = vector.broadcast %mul3A_269 : i32 to vector<72x1xi32>
      %mul3A_271 = arith.muli %add3A_268, %mul3A_270 : vector<72x1xi32>
      %max3A_272 = arith.maxsi %broadcast_in_dim3A_224, %mul3A_271 : vector<72x1xi32>
      %add3A_273 = arith.constant 1 : i32
      %add3A_274 = vector.broadcast %add3A_273 : i32 to vector<72x1xi32>
      %add3A_275 = arith.addi %add3A_268, %add3A_274 : vector<72x1xi32>
      %mul3A_276 = arith.constant 256 : i32
      %mul3A_277 = vector.broadcast %mul3A_276 : i32 to vector<72x1xi32>
      %mul3A_278 = arith.muli %add3A_275, %mul3A_277 : vector<72x1xi32>
      %min3A_279 = arith.minsi %broadcast_in_dim3A_229, %mul3A_278 : vector<72x1xi32>
      %lt3A_280 = vector.broadcast %broadcast_in_dim3A_196 : vector<1x1xi32> to vector<72x1xi32>
      %lt3A_281 = arith.cmpi slt, %iota3A_230, %lt3A_280 : vector<72x1xi32>
      %jit3A_282 = arith.constant 1 : i32
      %broadcast_in_dim3A_283 = vector.broadcast %jit3A_282 : i32 to vector<72x1xi32>
      %select_n3A_284 = arith.select %lt3A_281, %max3A_272, %broadcast_in_dim3A_283 : vector<72x1xi1>, vector<72x1xi32>
      %jit3A_285 = arith.constant 0 : i32
      %broadcast_in_dim3A_286 = vector.broadcast %jit3A_285 : i32 to vector<72x1xi32>
      %select_n3A_287 = arith.select %lt3A_281, %min3A_279, %broadcast_in_dim3A_286 : vector<72x1xi1>, vector<72x1xi32>
      %broadcast_in_dim3A_288 = arith.constant -1 : i32
      %broadcast_in_dim3A_289 = vector.broadcast %broadcast_in_dim3A_288 : i32 to vector<1x1xi32>
      %slice3A = vector.extract_strided_slice %add3A_268 {offsets = [0, 0], sizes = [71, 1], strides = [1, 1]} : vector<72x1xi32> to vector<71x1xi32>
      %concatenate3A = tpu.concatenate %broadcast_in_dim3A_289, %slice3A in 0 : vector<1x1xi32>, vector<71x1xi32> -> vector<72x1xi32>
      %ne3A_290 = arith.cmpi ne, %add3A_268, %concatenate3A : vector<72x1xi32>
      %and3A_291 = arith.andi %lt3A_281, %ne3A_290 : vector<72x1xi1>
      %convert_element_type3A_292 = arith.extui %and3A_291 : vector<72x1xi1> to vector<72x1xi32>
      %swap3A_293 = arith.constant 0 : index
      %swap3A_294 = arith.constant 0 : index
      %swap3A_295 = vector.load %arg10[%swap3A_293, %swap3A_294] : memref<1x64xi32, #tpu.memory_space<vmem>>, vector<1x64xi32>
      tpu.vector_store %arg10[%swap3A_293, %swap3A_294], %sub3A_119 {strides = array<i32>} : memref<1x64xi32, #tpu.memory_space<vmem>>, vector<1x64xi32>,
      %swap3A_296 = arith.constant 0 : index
      %swap3A_297 = arith.constant 0 : index
      %swap3A_298 = vector.load %arg11[%swap3A_296, %swap3A_297] : memref<72x1xi32, #tpu.memory_space<vmem>>, vector<72x1xi32>
      tpu.vector_store %arg11[%swap3A_296, %swap3A_297], %sub3A_211 {strides = array<i32>} : memref<72x1xi32, #tpu.memory_space<vmem>>, vector<72x1xi32>,
      %swap3A_299 = arith.constant 0 : index
      %swap3A_300 = arith.constant 0 : index
      %swap3A_301 = vector.load %arg12[%swap3A_299, %swap3A_300] : memref<72x1xi32, #tpu.memory_space<vmem>>, vector<72x1xi32>
      tpu.vector_store %arg12[%swap3A_299, %swap3A_300], %add3A_268 {strides = array<i32>} : memref<72x1xi32, #tpu.memory_space<vmem>>, vector<72x1xi32>,
      %swap3A_302 = arith.constant 0 : index
      %swap3A_303 = arith.constant 0 : index
      %swap3A_304 = vector.load %arg13[%swap3A_302, %swap3A_303] : memref<72x1xi32, #tpu.memory_space<vmem>>, vector<72x1xi32>
      tpu.vector_store %arg13[%swap3A_302, %swap3A_303], %select_n3A_284 {strides = array<i32>} : memref<72x1xi32, #tpu.memory_space<vmem>>, vector<72x1xi32>,
      %swap3A_305 = arith.constant 0 : index
      %swap3A_306 = arith.constant 0 : index
      %swap3A_307 = vector.load %arg14[%swap3A_305, %swap3A_306] : memref<72x1xi32, #tpu.memory_space<vmem>>, vector<72x1xi32>
      tpu.vector_store %arg14[%swap3A_305, %swap3A_306], %select_n3A_287 {strides = array<i32>} : memref<72x1xi32, #tpu.memory_space<vmem>>, vector<72x1xi32>,
      %swap3A_308 = arith.constant 0 : index
      %swap3A_309 = arith.constant 0 : index
      %swap3A_310 = vector.load %arg15[%swap3A_308, %swap3A_309] : memref<72x1xi32, #tpu.memory_space<vmem>>, vector<72x1xi32>
      tpu.vector_store %arg15[%swap3A_308, %swap3A_309], %convert_element_type3A_292 {strides = array<i32>} : memref<72x1xi32, #tpu.memory_space<vmem>>, vector<72x1xi32>,
    } else {
    }
    return
  }
  func.func @transform_0(%arg0: i32) -> (i32, i32) {
    %c0_i32 = arith.constant 0 : i32
    %c0_i32_0 = arith.constant 0 : i32
    return %arg0, %c0_i32 : i32, i32
  }
  func.func @transform_1(%arg0: i32) -> (i32, i32) {
    %c0_i32 = arith.constant 0 : i32
    %c0_i32_0 = arith.constant 0 : i32
    %c0_i32_1 = arith.constant 0 : i32
    return %c0_i32, %c0_i32_0 : i32, i32
  }
  func.func @transform_2(%arg0: i32) -> (i32, i32) {
    %c0_i32 = arith.constant 0 : i32
    %c0_i32_0 = arith.constant 0 : i32
    %c0_i32_1 = arith.constant 0 : i32
    return %c0_i32, %c0_i32_0 : i32, i32
  }
  func.func @transform_3(%arg0: i32) -> (i32, i32) {
    %c0_i32 = arith.constant 0 : i32
    %c0_i32_0 = arith.constant 0 : i32
    %c0_i32_1 = arith.constant 0 : i32
    return %c0_i32, %c0_i32_0 : i32, i32
  }
  func.func @transform_4(%arg0: i32) -> (i32, i32) {
    %c0_i32 = arith.constant 0 : i32
    %c0_i32_0 = arith.constant 0 : i32
    %c0_i32_1 = arith.constant 0 : i32
    return %c0_i32, %c0_i32_0 : i32, i32
  }
  func.func @transform_5(%arg0: i32) -> (i32, i32) {
    %c0_i32 = arith.constant 0 : i32
    %c0_i32_0 = arith.constant 0 : i32
    %c0_i32_1 = arith.constant 0 : i32
    return %c0_i32, %c0_i32_0 : i32, i32
  }
  func.func @transform_6(%arg0: i32) -> (i32, i32) {
    %c0_i32 = arith.constant 0 : i32
    %c0_i32_0 = arith.constant 0 : i32
    %c0_i32_1 = arith.constant 0 : i32
    return %c0_i32, %c0_i32_0 : i32, i32
  }
  func.func @transform_7(%arg0: i32) -> (i32, i32) {
    %c0_i32 = arith.constant 0 : i32
    %c0_i32_0 = arith.constant 0 : i32
    return %arg0, %c0_i32 : i32, i32
  }
  func.func @transform_8(%arg0: i32) -> (i32, i32) {
    %c0_i32 = arith.constant 0 : i32
    %c0_i32_0 = arith.constant 0 : i32
    return %arg0, %c0_i32 : i32, i32
  }
  func.func @transform_9(%arg0: i32) -> (i32, i32) {
    %c0_i32 = arith.constant 0 : i32
    %c0_i32_0 = arith.constant 0 : i32
    %c0_i32_1 = arith.constant 0 : i32
    return %c0_i32, %c0_i32_0 : i32, i32
  }
  func.func @transform_10(%arg0: i32) -> (i32, i32) {
    %c0_i32 = arith.constant 0 : i32
    %c0_i32_0 = arith.constant 0 : i32
    %c0_i32_1 = arith.constant 0 : i32
    return %c0_i32, %c0_i32_0 : i32, i32
  }
  func.func @transform_11(%arg0: i32) -> (i32, i32) {
    %c0_i32 = arith.constant 0 : i32
    %c0_i32_0 = arith.constant 0 : i32
    %c0_i32_1 = arith.constant 0 : i32
    return %c0_i32, %c0_i32_0 : i32, i32
  }
  func.func @transform_12(%arg0: i32) -> (i32, i32) {
    %c0_i32 = arith.constant 0 : i32
    %c0_i32_0 = arith.constant 0 : i32
    %c0_i32_1 = arith.constant 0 : i32
    return %c0_i32, %c0_i32_0 : i32, i32
  }
  func.func @transform_13(%arg0: i32) -> (i32, i32) {
    %c0_i32 = arith.constant 0 : i32
    %c0_i32_0 = arith.constant 0 : i32
    %c0_i32_1 = arith.constant 0 : i32
    return %c0_i32, %c0_i32_0 : i32, i32
  }
  func.func @transform_14(%arg0: i32) -> (i32, i32) {
    %c0_i32 = arith.constant 0 : i32
    %c0_i32_0 = arith.constant 0 : i32
    %c0_i32_1 = arith.constant 0 : i32
    return %c0_i32, %c0_i32_0 : i32, i32
  }
}

module attributes {stable_mosaic.version = 14 : i64} {
  func.func @_mlp_body(%arg0: i32, %arg1: memref<72xi32, #tpu.memory_space<smem>>, %arg2: memref<72xi32, #tpu.memory_space<smem>>, %arg3: memref<72xi32, #tpu.memory_space<smem>>, %arg4: memref<72xi32, #tpu.memory_space<smem>>, %arg5: memref<72xi32, #tpu.memory_space<smem>>, %arg6: memref<256x768xf32, #tpu.memory_space<vmem>>, %arg7: memref<1x768xf32, #tpu.memory_space<vmem>>, %arg8: memref<1x768xf32, #tpu.memory_space<vmem>>, %arg9: memref<1x768x768xf32, #tpu.memory_space<vmem>>, %arg10: memref<1x1x768xf32, #tpu.memory_space<vmem>>, %arg11: memref<1x768x768xf32, #tpu.memory_space<vmem>>, %arg12: memref<1x1x768xf32, #tpu.memory_space<vmem>>, %arg13: memref<256x768xf32, #tpu.memory_space<vmem>>) attributes {dimension_semantics = [#tpu.dimension_semantics<arbitrary>], iteration_bounds = array<i64: 72>, scalar_prefetch = 5 : i64, scratch_operands = 0 : i64, tpu.core_type = #tpu.core_type<tc>, window_params = [{transform_indices = @transform_0, window_bounds = array<i64: 256, 768>}, {pipeline_mode = #tpu.pipeline_mode<synchronous>, transform_indices = @transform_1, window_bounds = array<i64: 1, 768>}, {pipeline_mode = #tpu.pipeline_mode<synchronous>, transform_indices = @transform_2, window_bounds = array<i64: 1, 768>}, {transform_indices = @transform_3, window_bounds = array<i64: 1, 768, 768>}, {transform_indices = @transform_4, window_bounds = array<i64: 1, 1, 768>}, {transform_indices = @transform_5, window_bounds = array<i64: 1, 768, 768>}, {transform_indices = @transform_6, window_bounds = array<i64: 1, 1, 768>}, {transform_indices = @transform_7, window_bounds = array<i64: 256, 768>}]} {
    %get3A = arith.index_cast %arg0 : i32 to index
    %get3A_0 = memref.load %arg3[%get3A] : memref<72xi32, #tpu.memory_space<smem>>
    %get3A_1 = arith.index_cast %arg0 : i32 to index
    %get3A_2 = memref.load %arg4[%get3A_1] : memref<72xi32, #tpu.memory_space<smem>>
    %get3A_3 = arith.index_cast %arg0 : i32 to index
    %get3A_4 = memref.load %arg5[%get3A_3] : memref<72xi32, #tpu.memory_space<smem>>
    %get3A_5 = arith.index_cast %arg0 : i32 to index
    %get3A_6 = memref.load %arg2[%get3A_5] : memref<72xi32, #tpu.memory_space<smem>>
    %lt3A = arith.cmpi slt, %get3A_0, %get3A_2 : i32
    %convert_element_type3A = arith.extui %lt3A : i1 to i32
    %cond3A = arith.constant 0 : i32
    %cond3A_7 = arith.cmpi ne, %convert_element_type3A, %cond3A : i32
    scf.if %cond3A_7 {
      %get3A_8 = arith.constant 0 : index
      %get3A_9 = arith.constant 0 : index
      %get3A_10 = vector.load %arg6[%get3A_8, %get3A_9] : memref<256x768xf32, #tpu.memory_space<vmem>>, vector<256x768xf32>
      %reduce_sum3A = arith.constant dense<0.000000e+00> : vector<256xf32>
      %reduce_sum3A_11 = vector.multi_reduction <add>, %get3A_10, %reduce_sum3A [1] : vector<256x768xf32> to vector<256xf32>
      %broadcast_in_dim3A = vector.shape_cast %reduce_sum3A_11 : vector<256xf32> to vector<256x1xf32>
      %div3A = arith.constant 7.680000e+02 : f32
      %div3A_12 = vector.broadcast %div3A : f32 to vector<256x1xf32>
      %div3A_13 = arith.divf %broadcast_in_dim3A, %div3A_12 : vector<256x1xf32>
      %sub3A = vector.broadcast %div3A_13 : vector<256x1xf32> to vector<256x768xf32>
      %sub3A_14 = arith.subf %get3A_10, %sub3A : vector<256x768xf32>
      %integer_pow3A = arith.mulf %sub3A_14, %sub3A_14 : vector<256x768xf32>
      %reduce_sum3A_15 = arith.constant dense<0.000000e+00> : vector<256xf32>
      %reduce_sum3A_16 = vector.multi_reduction <add>, %integer_pow3A, %reduce_sum3A_15 [1] : vector<256x768xf32> to vector<256xf32>
      %broadcast_in_dim3A_17 = vector.shape_cast %reduce_sum3A_16 : vector<256xf32> to vector<256x1xf32>
      %div3A_18 = arith.constant 7.680000e+02 : f32
      %div3A_19 = vector.broadcast %div3A_18 : f32 to vector<256x1xf32>
      %div3A_20 = arith.divf %broadcast_in_dim3A_17, %div3A_19 : vector<256x1xf32>
      %sub3A_21 = vector.broadcast %div3A_13 : vector<256x1xf32> to vector<256x768xf32>
      %sub3A_22 = arith.subf %get3A_10, %sub3A_21 : vector<256x768xf32>
      %add3A = arith.constant 9.99999974E-6 : f32
      %add3A_23 = vector.broadcast %add3A : f32 to vector<256x1xf32>
      %add3A_24 = arith.addf %div3A_20, %add3A_23 : vector<256x1xf32>
      %sqrt3A = math.sqrt %add3A_24 : vector<256x1xf32>
      %div3A_25 = vector.broadcast %sqrt3A : vector<256x1xf32> to vector<256x768xf32>
      %div3A_26 = arith.divf %sub3A_22, %div3A_25 : vector<256x768xf32>
      %get3A_27 = arith.constant 0 : index
      %get3A_28 = arith.constant 0 : index
      %get3A_29 = vector.load %arg7[%get3A_27, %get3A_28] : memref<1x768xf32, #tpu.memory_space<vmem>>, vector<1x768xf32>
      %mul3A = vector.broadcast %get3A_29 : vector<1x768xf32> to vector<256x768xf32>
      %mul3A_30 = arith.mulf %div3A_26, %mul3A : vector<256x768xf32>
      %get3A_31 = arith.constant 0 : index
      %get3A_32 = arith.constant 0 : index
      %get3A_33 = vector.load %arg8[%get3A_31, %get3A_32] : memref<1x768xf32, #tpu.memory_space<vmem>>, vector<1x768xf32>
      %add3A_34 = vector.broadcast %get3A_33 : vector<1x768xf32> to vector<256x768xf32>
      %add3A_35 = arith.addf %mul3A_30, %add3A_34 : vector<256x768xf32>
      %get3A_36 = arith.constant 0 : index
      %get3A_37 = arith.constant 0 : index
      %get3A_38 = arith.constant 0 : index
      %get3A_39 = vector.load %arg9[%get3A_36, %get3A_37, %get3A_38] : memref<1x768x768xf32, #tpu.memory_space<vmem>>, vector<1x768x768xf32>
      %get3A_40 = vector.shape_cast %get3A_39 : vector<1x768x768xf32> to vector<768x768xf32>
      %dot_general3A = arith.constant dense<0.000000e+00> : vector<256x768xf32>
      %dot_general3A_41 = tpu.matmul %add3A_35, %get3A_40, %dot_general3A {dimension_numbers = #tpu.dot_dimension_numbers<[1], [0], [0], [1], [0, 0, 1, 1], [], []>, transpose_lhs_hint = false} : vector<256x768xf32>, vector<768x768xf32>, vector<256x768xf32> -> vector<256x768xf32>
      %get3A_42 = arith.constant 0 : index
      %get3A_43 = arith.constant 0 : index
      %get3A_44 = arith.constant 0 : index
      %get3A_45 = vector.load %arg10[%get3A_42, %get3A_43, %get3A_44] : memref<1x1x768xf32, #tpu.memory_space<vmem>>, vector<1x1x768xf32>
      %get3A_46 = vector.shape_cast %get3A_45 : vector<1x1x768xf32> to vector<1x768xf32>
      %add3A_47 = vector.broadcast %get3A_46 : vector<1x768xf32> to vector<256x768xf32>
      %add3A_48 = arith.addf %dot_general3A_41, %add3A_47 : vector<256x768xf32>
      %max3A = arith.constant 0.000000e+00 : f32
      %max3A_49 = vector.broadcast %max3A : f32 to vector<256x768xf32>
      %max3A_50 = arith.maximumf %add3A_48, %max3A_49 : vector<256x768xf32>
      %get3A_51 = arith.constant 0 : index
      %get3A_52 = arith.constant 0 : index
      %get3A_53 = arith.constant 0 : index
      %get3A_54 = vector.load %arg11[%get3A_51, %get3A_52, %get3A_53] : memref<1x768x768xf32, #tpu.memory_space<vmem>>, vector<1x768x768xf32>
      %get3A_55 = vector.shape_cast %get3A_54 : vector<1x768x768xf32> to vector<768x768xf32>
      %dot_general3A_56 = arith.constant dense<0.000000e+00> : vector<256x768xf32>
      %dot_general3A_57 = tpu.matmul %max3A_50, %get3A_55, %dot_general3A_56 {dimension_numbers = #tpu.dot_dimension_numbers<[1], [0], [0], [1], [0, 0, 1, 1], [], []>, transpose_lhs_hint = false} : vector<256x768xf32>, vector<768x768xf32>, vector<256x768xf32> -> vector<256x768xf32>
      %get3A_58 = arith.constant 0 : index
      %get3A_59 = arith.constant 0 : index
      %get3A_60 = arith.constant 0 : index
      %get3A_61 = vector.load %arg12[%get3A_58, %get3A_59, %get3A_60] : memref<1x1x768xf32, #tpu.memory_space<vmem>>, vector<1x1x768xf32>
      %get3A_62 = vector.shape_cast %get3A_61 : vector<1x1x768xf32> to vector<1x768xf32>
      %add3A_63 = vector.broadcast %get3A_62 : vector<1x768xf32> to vector<256x768xf32>
      %add3A_64 = arith.addf %dot_general3A_57, %add3A_63 : vector<256x768xf32>
      %mul3A_65 = arith.constant 256 : i32
      %mul3A_66 = arith.muli %get3A_6, %mul3A_65 : i32
      %iota3A = tpu.iota {dimensions = array<i32: 0>} : vector<256x1xi32>
      %add3A_67 = vector.broadcast %mul3A_66 : i32 to vector<256x1xi32>
      %add3A_68 = arith.addi %add3A_67, %iota3A : vector<256x1xi32>
      %ge3A = vector.broadcast %get3A_0 : i32 to vector<256x1xi32>
      %ge3A_69 = arith.cmpi sge, %add3A_68, %ge3A : vector<256x1xi32>
      %lt3A_70 = vector.broadcast %get3A_2 : i32 to vector<256x1xi32>
      %lt3A_71 = arith.cmpi slt, %add3A_68, %lt3A_70 : vector<256x1xi32>
      %and3A = arith.andi %ge3A_69, %lt3A_71 : vector<256x1xi1>
      %jit3A = arith.constant 0.000000e+00 : f32
      %broadcast_in_dim3A_72 = vector.shape_cast %and3A : vector<256x1xi1> to vector<256x1xi1>
      %broadcast_in_dim3A_73 = vector.broadcast %broadcast_in_dim3A_72 : vector<256x1xi1> to vector<256x768xi1>
      %broadcast_in_dim3A_74 = vector.broadcast %jit3A : f32 to vector<256x768xf32>
      %select_n3A = arith.select %broadcast_in_dim3A_73, %add3A_64, %broadcast_in_dim3A_74 : vector<256x768xi1>, vector<256x768xf32>
      %eq3A = arith.constant 1 : i32
      %eq3A_75 = arith.cmpi eq, %get3A_4, %eq3A : i32
      %convert_element_type3A_76 = arith.extui %eq3A_75 : i1 to i32
      %cond3A_77 = arith.constant 0 : i32
      %cond3A_78 = arith.cmpi ne, %convert_element_type3A_76, %cond3A_77 : i32
      scf.if %cond3A_78 {
        %add3A_84 = arith.addf %get3A_10, %select_n3A : vector<256x768xf32>
        %swap3A = arith.constant 0 : index
        %swap3A_85 = arith.constant 0 : index
        %swap3A_86 = vector.load %arg13[%swap3A, %swap3A_85] : memref<256x768xf32, #tpu.memory_space<vmem>>, vector<256x768xf32>
        tpu.vector_store %arg13[%swap3A, %swap3A_85], %add3A_84 {strides = array<i32>} : memref<256x768xf32, #tpu.memory_space<vmem>>, vector<256x768xf32>,
      } else {
      }
      %eq3A_79 = arith.constant 0 : i32
      %eq3A_80 = arith.cmpi eq, %get3A_4, %eq3A_79 : i32
      %convert_element_type3A_81 = arith.extui %eq3A_80 : i1 to i32
      %cond3A_82 = arith.constant 0 : i32
      %cond3A_83 = arith.cmpi ne, %convert_element_type3A_81, %cond3A_82 : i32
      scf.if %cond3A_83 {
        %get3A_84 = arith.constant 0 : index
        %get3A_85 = arith.constant 0 : index
        %get3A_86 = vector.load %arg13[%get3A_84, %get3A_85] : memref<256x768xf32, #tpu.memory_space<vmem>>, vector<256x768xf32>
        %add3A_87 = arith.addf %get3A_86, %select_n3A : vector<256x768xf32>
        %swap3A = arith.constant 0 : index
        %swap3A_88 = arith.constant 0 : index
        %swap3A_89 = vector.load %arg13[%swap3A, %swap3A_88] : memref<256x768xf32, #tpu.memory_space<vmem>>, vector<256x768xf32>
        tpu.vector_store %arg13[%swap3A, %swap3A_88], %add3A_87 {strides = array<i32>} : memref<256x768xf32, #tpu.memory_space<vmem>>, vector<256x768xf32>,
      } else {
      }
    } else {
    }
    return
  }
  func.func @transform_0(%arg0: i32, %arg1: memref<72xi32, #tpu.memory_space<smem>>, %arg2: memref<72xi32, #tpu.memory_space<smem>>, %arg3: memref<72xi32, #tpu.memory_space<smem>>, %arg4: memref<72xi32, #tpu.memory_space<smem>>, %arg5: memref<72xi32, #tpu.memory_space<smem>>) -> (i32, i32) {
    %get3A = arith.index_cast %arg0 : i32 to index
    %get3A_0 = memref.load %arg2[%get3A] : memref<72xi32, #tpu.memory_space<smem>>
    %c0_i32 = arith.constant 0 : i32
    %c0_i32_1 = arith.constant 0 : i32
    return %get3A_0, %c0_i32 : i32, i32
  }
  func.func @transform_1(%arg0: i32, %arg1: memref<72xi32, #tpu.memory_space<smem>>, %arg2: memref<72xi32, #tpu.memory_space<smem>>, %arg3: memref<72xi32, #tpu.memory_space<smem>>, %arg4: memref<72xi32, #tpu.memory_space<smem>>, %arg5: memref<72xi32, #tpu.memory_space<smem>>) -> (i32, i32) {
    %c0_i32 = arith.constant 0 : i32
    %c0_i32_0 = arith.constant 0 : i32
    %c0_i32_1 = arith.constant 0 : i32
    return %c0_i32, %c0_i32_0 : i32, i32
  }
  func.func @transform_2(%arg0: i32, %arg1: memref<72xi32, #tpu.memory_space<smem>>, %arg2: memref<72xi32, #tpu.memory_space<smem>>, %arg3: memref<72xi32, #tpu.memory_space<smem>>, %arg4: memref<72xi32, #tpu.memory_space<smem>>, %arg5: memref<72xi32, #tpu.memory_space<smem>>) -> (i32, i32) {
    %c0_i32 = arith.constant 0 : i32
    %c0_i32_0 = arith.constant 0 : i32
    %c0_i32_1 = arith.constant 0 : i32
    return %c0_i32, %c0_i32_0 : i32, i32
  }
  func.func @transform_3(%arg0: i32, %arg1: memref<72xi32, #tpu.memory_space<smem>>, %arg2: memref<72xi32, #tpu.memory_space<smem>>, %arg3: memref<72xi32, #tpu.memory_space<smem>>, %arg4: memref<72xi32, #tpu.memory_space<smem>>, %arg5: memref<72xi32, #tpu.memory_space<smem>>) -> (i32, i32, i32) {
    %get3A = arith.index_cast %arg0 : i32 to index
    %get3A_0 = memref.load %arg1[%get3A] : memref<72xi32, #tpu.memory_space<smem>>
    %c0_i32 = arith.constant 0 : i32
    %c0_i32_1 = arith.constant 0 : i32
    %c0_i32_2 = arith.constant 0 : i32
    return %get3A_0, %c0_i32, %c0_i32_1 : i32, i32, i32
  }
  func.func @transform_4(%arg0: i32, %arg1: memref<72xi32, #tpu.memory_space<smem>>, %arg2: memref<72xi32, #tpu.memory_space<smem>>, %arg3: memref<72xi32, #tpu.memory_space<smem>>, %arg4: memref<72xi32, #tpu.memory_space<smem>>, %arg5: memref<72xi32, #tpu.memory_space<smem>>) -> (i32, i32, i32) {
    %get3A = arith.index_cast %arg0 : i32 to index
    %get3A_0 = memref.load %arg1[%get3A] : memref<72xi32, #tpu.memory_space<smem>>
    %c0_i32 = arith.constant 0 : i32
    %c0_i32_1 = arith.constant 0 : i32
    %c0_i32_2 = arith.constant 0 : i32
    return %get3A_0, %c0_i32, %c0_i32_1 : i32, i32, i32
  }
  func.func @transform_5(%arg0: i32, %arg1: memref<72xi32, #tpu.memory_space<smem>>, %arg2: memref<72xi32, #tpu.memory_space<smem>>, %arg3: memref<72xi32, #tpu.memory_space<smem>>, %arg4: memref<72xi32, #tpu.memory_space<smem>>, %arg5: memref<72xi32, #tpu.memory_space<smem>>) -> (i32, i32, i32) {
    %get3A = arith.index_cast %arg0 : i32 to index
    %get3A_0 = memref.load %arg1[%get3A] : memref<72xi32, #tpu.memory_space<smem>>
    %c0_i32 = arith.constant 0 : i32
    %c0_i32_1 = arith.constant 0 : i32
    %c0_i32_2 = arith.constant 0 : i32
    return %get3A_0, %c0_i32, %c0_i32_1 : i32, i32, i32
  }
  func.func @transform_6(%arg0: i32, %arg1: memref<72xi32, #tpu.memory_space<smem>>, %arg2: memref<72xi32, #tpu.memory_space<smem>>, %arg3: memref<72xi32, #tpu.memory_space<smem>>, %arg4: memref<72xi32, #tpu.memory_space<smem>>, %arg5: memref<72xi32, #tpu.memory_space<smem>>) -> (i32, i32, i32) {
    %get3A = arith.index_cast %arg0 : i32 to index
    %get3A_0 = memref.load %arg1[%get3A] : memref<72xi32, #tpu.memory_space<smem>>
    %c0_i32 = arith.constant 0 : i32
    %c0_i32_1 = arith.constant 0 : i32
    %c0_i32_2 = arith.constant 0 : i32
    return %get3A_0, %c0_i32, %c0_i32_1 : i32, i32, i32
  }
  func.func @transform_7(%arg0: i32, %arg1: memref<72xi32, #tpu.memory_space<smem>>, %arg2: memref<72xi32, #tpu.memory_space<smem>>, %arg3: memref<72xi32, #tpu.memory_space<smem>>, %arg4: memref<72xi32, #tpu.memory_space<smem>>, %arg5: memref<72xi32, #tpu.memory_space<smem>>) -> (i32, i32) {
    %get3A = arith.index_cast %arg0 : i32 to index
    %get3A_0 = memref.load %arg2[%get3A] : memref<72xi32, #tpu.memory_space<smem>>
    %c0_i32 = arith.constant 0 : i32
    %c0_i32_1 = arith.constant 0 : i32
    return %get3A_0, %c0_i32 : i32, i32
  }
}

</mosaic_0001>

<sc_bundles>
// kernel: kernel.6.cloned.1.call-start
scs
__scs_entry_jumppad:
0x0: {  	(pc) =	sbr.rel $0x88, $3  }
0x1: {  	(tag) =	ssettag $0x0;
	lr =	simm.s32 $0x1  }
0x2: {  	[smem:$0x3F96] =	sst lr;
	_ =	strace $0xD0000000  }
0x3: {  	_ = 	snop  }
0x4: {  	_ = 	snop  }
0x5: {  	_ = 	snop  }
0x6: {  	_ = 	snop  }
0x7: {  	_ = 	snop  }
__scs_overlays_trampoline_lowered:
0x8: {  	[smem:$0x3FA5] =	sst s0  }
0x9: {  	[smem:$0x3FA6] =	sst s1  }
0xa: {  	[smem:$0x3FA7] =	sst s2  }
0xb: {  	[smem:$0x3FA8] =	sst s3  }
0xc: {  	[smem:$0x3FA9] =	sst s4  }
0xd: {  	[smem:$0x3FAA] =	sst s5  }
0xe: {  	[smem:$0x3FAB] =	sst s6  }
0xf: {  	[smem:$0x3FAC] =	sst s7  }
0x10: {  	[smem:$0x3FAD] =	sst s8  }
0x11: {  	[smem:$0x3FAE] =	sst s9;
	s0 =	simm.s32 @!p0 $0x0  }
0x12: {  	s1 =	sld [smem:$0x3F94];
	s0 =	simm.s32 @p0 $0x1  }
0x13: {  	[smem:$0x3FAF] =	sst s0;
	s0 =	simm.s32 @!p1 $0x0  }
0x14: {  	s2 =	sld [smem:$0x3F93];
	s0 =	simm.s32 @p1 $0x1  }
0x15: {  	[smem:$0x3FB0] =	sst s0;
	s0 =	simm.s32 @!p2 $0x0  }
0x16: {  	s3 =	sld [smem:$0x3FDB];
	s0 =	simm.s32 @p2 $0x1  }
0x17: {  	s4 =	simm.s32 $0x1BF5;
	[smem:$0x3FB2] =	sst s0  }
0x18: {  	s0 =	sld [smem:$0x3F95];
	_ =	swait.ge [sflag:s4], $0x0  }
0x19: {  	s7 =	sld [smem:$0x3F96]  }
0x1a: {  	s8 =	sadd.s32 $0xFFFFE003, lr  }
0x1b: {  	s9 =	sadd.s32 $0xFFFFFEF7, lr;
	s5 =	simm.s32 $0xFFFFFFFF;
	p2 =	slt.u32 s8, $0xFFFFF086  }
0x1c: {  	p1 =	slt.u32 s9, $0xF7A;
	s5 =	simm.s32 @!p2 $0x0  }
0x1d: {  	s5 =	simm.s32 @p1 $0x1;
	p0 =	seq.s32 s7, s2  }
0x1e: {  	s7 =	smul.u32 @!p0 $0xF7A, s2;
	p2 =	seq.s32 @!p0 s5, $0x0  }
0x1f: {  	s9 =	smul.u32 $0xF7A, s1;
	s8 =	simm.s32 @!p0 $0x1BF5;
	p2 =	por !p2, p0  }
0x20: {  	[sflag:s8] =	ssyncset.s32 @!p0 $0xFFFFF086;
	s6 =	sadd.s32 @!p0 s3, s7;
	s7 =	simm.s32 @!p0 $0x108  }
0x21: {  	s3 =	sadd.s32 s3, s9;
	s6 =	sadd.s32 @!p0 $0x88, s6;
	s7 =	simm.s32 @p2 $0x1082  }
0x22: {  	[simem:s7], [sflag:s8] =	dma.local @!p0 [hbm:s6], $0xF7A  }
0x23: {  	s9 =	sor.u32 $0xD0000000, s2;
	s6 =	simm.s32 $0x108;
	_ =	swait.ge @!p0 [sflag:s8], $0x0  }
0x24: {  	s3 =	sadd.s32 $0x88, s3;
	s6 =	simm.s32 @!p1 $0x1082;
	[sflag:s4] =	ssyncset.s32 $0xFFFFF086  }
0x25: {  	[simem:s6], [sflag:s4] =	dma.local [hbm:s3], $0xF7A  }
0x26: {  	[smem:$0x3F96] =	sst s1;
	(tag) =	ssettag s2;
	_ =	strace s9  }
0x27: {  	s1 =	sld [smem:$0x3FA6]  }
0x28: {  	s2 =	sld [smem:$0x3FA7]  }
0x29: {  	s4 =	sld [smem:$0x3FA9]  }
0x2a: {  	p0 =	seq.s32 s5, $0x0;
	s5 =	sld [smem:$0x3FAA]  }
0x2b: {  	s6 =	sld [smem:$0x3FAB]  }
0x2c: {  	s7 =	sld [smem:$0x3FAC]  }
0x2d: {  	s3 =	simm.s32 $0x108;
	s8 =	sld [smem:$0x3FAD]  }
0x2e: {  	s3 =	simm.s32 @!p0 $0x1082;
	s9 =	sld [smem:$0x3FAE]  }
0x2f: {  	lr =	sadd.s32 s0, s3;
	s0 =	sld [smem:$0x3FA5]  }
0x30: {  	s3 =	sld [smem:$0x3FA8]  }
0x31: {  	[smem:$0x3FB1] =	sst s10  }
0x32: {  	s10 =	sld [smem:$0x3FAF];
	_ =	sdelay $0x3  }
0x33: {  	p0 =	seq.s32 s10, $0x1;
	s10 =	sld [smem:$0x3FB1];
	_ =	sdelay $0x3  }
0x34: {  	[smem:$0x3FB1] =	sst s10  }
0x35: {  	s10 =	sld [smem:$0x3FB0];
	_ =	sdelay $0x3  }
0x36: {  	p1 =	seq.s32 s10, $0x1;
	s10 =	sld [smem:$0x3FB1];
	_ =	sdelay $0x3  }
0x37: {  	[smem:$0x3FB1] =	sst s10  }
0x38: {  	s10 =	sld [smem:$0x3FB2]  }
0x39: {  	_ = 	snop;
	(pc) =	sbr.ind lr, $3  }
0x3a: {  	_ = 	snop  }
0x3b: {  	_ = 	snop  }
0x3c: {  	p2 =	seq.s32 s10, $0x1;
	s10 =	sld [smem:$0x3FB1]  }
0x3d: {  	_ =	shalt  }
0x3e: {  	_ =	shalt  }
0x3f: {  	_ =	shalt  }
0x40: {  	_ =	shalt  }
0x41: {  	_ =	shalt  }
0x42: {  	_ =	shalt  }
0x43: {  	_ =	shalt  }
0x44: {  	_ =	shalt  }
0x45: {  	_ =	shalt  }
0x46: {  	_ =	shalt  }
0x47: {  	_ =	shalt  }
0x48: {  	_ =	shalt  }
0x49: {  	_ =	shalt  }
0x4a: {  	_ =	shalt  }
0x4b: {  	_ =	shalt  }
0x4c: {  	_ =	shalt  }
0x4d: {  	_ =	shalt  }
0x4e: {  	_ =	shalt  }
0x4f: {  	_ =	shalt  }
0x50: {  	_ =	shalt  }
0x51: {  	_ =	shalt  }
0x52: {  	_ =	shalt  }
0x53: {  	_ =	shalt  }
0x54: {  	_ =	shalt  }
0x55: {  	_ =	shalt  }
0x56: {  	_ =	shalt  }
0x57: {  	_ =	shalt  }
0x58: {  	_ =	shalt  }
0x59: {  	_ =	shalt  }
0x5a: {  	_ =	shalt  }
0x5b: {  	_ =	shalt  }
0x5c: {  	_ =	shalt  }
0x5d: {  	_ =	shalt  }
0x5e: {  	_ =	shalt  }
0x5f: {  	_ =	shalt  }
0x60: {  	_ =	shalt  }
0x61: {  	_ =	shalt  }
0x62: {  	_ =	shalt  }
0x63: {  	_ =	shalt  }
0x64: {  	_ =	shalt  }
0x65: {  	_ =	shalt  }
0x66: {  	_ =	shalt  }
0x67: {  	_ =	shalt  }
0x68: {  	_ =	shalt  }
0x69: {  	_ =	shalt  }
0x6a: {  	_ =	shalt  }
0x6b: {  	_ =	shalt  }
0x6c: {  	_ =	shalt  }
0x6d: {  	_ =	shalt  }
0x6e: {  	_ =	shalt  }
0x6f: {  	_ =	shalt  }
0x70: {  	_ =	shalt  }
0x71: {  	_ =	shalt  }
0x72: {  	_ =	shalt  }
0x73: {  	_ =	shalt  }
0x74: {  	_ =	shalt  }
0x75: {  	_ =	shalt  }
0x76: {  	_ =	shalt  }
0x77: {  	_ =	shalt  }
0x78: {  	_ =	shalt  }
0x79: {  	_ =	shalt  }
0x7a: {  	_ =	shalt  }
0x7b: {  	_ =	shalt  }
0x7c: {  	_ =	shalt  }
0x7d: {  	_ =	shalt  }
0x7e: {  	_ =	shalt  }
0x7f: {  	_ =	shalt  }
0x80: {  	_ =	shalt  }
0x81: {  	_ =	shalt  }
0x82: {  	_ =	shalt  }
0x83: {  	_ =	shalt  }
0x84: {  	_ =	shalt  }
0x85: {  	_ =	shalt  }
0x86: {  	_ =	shalt  }
0x87: {  	_ =	shalt  }
.Lfunc_end0:
.L_simem_size_0:
called_computation_lowered:
.L_overlay_start_0:
0x88: {  	s2 =	sld [smem:$0x3FD9]  }
0x89: {  	s3 =	sld [smem:$0x3FFE];
	_ =	sdelay $0x1  }
0x8a: {  	s1 =	srdreg.scid  }
0x8b: {  	s0 =	sand.u32 $0x1, s1  }
0x8c: {  	s17 =	sshll.u32 s0, $0xA;
	s2 =	sadd.s32 s3, s2  }
0x8d: {  	s2 =	sadd.s32 s2, s17  }
0x8e: {  	[smem:$0x3FBD] =	sst s2  }
0x8f: {  	_ = 	snop  }
0x90: {  	s2 =	sld [smem:$0x3FC9]  }
0x91: {  	s18 =	sld [smem:$0x3FD0];
	(tm) =	ssettm $0x1  }
0x92: {  	s4 =	sld [smem:$0x3FFB];
	_ =	sdelay $0x3  }
0x93: {  	_ =	strace s4  }
0x94: {  	s4 =	sld [smem:$0x3FFC];
	_ =	sdelay $0x3  }
0x95: {  	_ =	strace s4  }
0x96: {  	s4 =	sld [smem:$0x3FFD];
	_ =	sdelay $0x3  }
0x97: {  	_ =	strace s4  }
0x98: {  	_ =	strace $0x8FFFFFFF  }
0x99: {  	s19 =	sld [smem:$0x3FDB];
	_ =	sdelay $0x1  }
0x9a: {  	s5 =	simm.s32 $_scs_section_size  }
0x9b: {  	s6 =	simm.s32 $_size__tile_overlayer_lowered;
	s7 =	simm.s32 $_tile_overlayer_lowered  }
0x9c: {  	s22 =	simm.s32 $0x1BFF;
	s21 =	sshll.u32 s7, $0x1;
	s4 =	sadd.s32 s5, s19  }
0x9d: {  	s8 =	simm.s32 $0x0;
	s20 =	sshll.u32 s6, $0x1;
	s6 =	sadd.s32 s21, s4  }
0x9e: {  	[timem:s8], [sflag:s22] =	dma.local [hbm:s6], s20  }
0x9f: {  	_ =	swait.ge [sflag:s22], s20  }
0xa0: {  	s5 =	ssub.s32 $0x0, s20;
	[sflag:s22] =	ssyncset.done $0x0  }
0xa1: {  	[sflag:s22] =	ssyncadd.s32 s5;
	_ =	sdelay $0x1  }
0xa2: {  	s23 =	simm.s32 $0x1B8B  }
0xa3: {  	_ =	swait.ge [sflag:s23], $0x1  }
0xa4: {  	[sflag:s23] =	ssyncset.done $0x0  }
0xa5: {  	s25 =	simm.s32 $0x1B8E;
	s24 =	sld [smem:$0x3FFE];
	[sflag:s23] =	ssyncadd.s32 $0xFFFFFFFF  }
0xa6: {  	s26 =	simm.s32 $execute0_lowered;
	[smem:$0x3FD2] =	sst s25  }
0xa7: {  	s6 =	sshll.u32 s26, $0x1;
	_ =	strace $0x80000046;
	[dreg:$0x1] =	wrdreg $0xFFFFFFFF  }
0xa8: {  	s28 =	simm.s32 $_size_execute0_lowered;
	s4 =	sadd.s32 s4, s6;
	[dreg:$0x0] =	wrdreg $0x0  }
0xa9: {  	s6 =	sshll.u32 s28, $0x1;
	[dreg:$0x2] =	wrdreg s4  }
0xaa: {  	[dreg:$0x3] =	wrdreg s6  }
0xab: {  	[dreg:$0x4] =	wrdreg $0xC0  }
0xac: {  	_ =	task [dreg:s8], $0x5FFFF  }
0xad: {  	[dreg:$0x1] =	wrdreg $0xFFFFFFFF  }
0xae: {  	[dreg:$0x0] =	wrdreg $0x60  }
0xaf: {  	[dreg:$0x2] =	wrdreg s2  }
0xb0: {  	[dreg:$0x3] =	wrdreg s24  }
0xb1: {  	[dreg:$0x4] =	wrdreg s18  }
0xb2: {  	[dreg:$0x5] =	wrdreg $0x9  }
0xb3: {  	_ =	task.clear_ibuf [dreg:s8], $0x6FFFF;
	_ =	strace $0x90000046  }
0xb4: {  	s29 =	simm.s32 $0x9;
	_ =	strace $0x80000048  }
0xb5: {  	_ =	swait.ge [sflag:s29], $0x1  }
0xb6: {  	[sflag:s29] =	ssyncadd.s32 $0xFFFFFFFF  }
0xb7: {  	_ =	strace $0x90000048  }
0xb8: {  	_ =	sfence  }
0xb9: {  	s30 =	sld [smem:$0x0];
	_ =	sdelay $0x2  }
0xba: {  	s31 =	sshll.u32 s1, $0xD;
	s1 =	sshrl.u32 s1, $0x2  }
0xbb: {  	s3 =	sand.u32 $0x4000, s31;
	s1 =	sadd.s32 s1, s30  }
0xbc: {  	s0 =	sor.u32 s3, s0;
	s1 =	sshll.u32 s1, $0x11  }
0xbd: {  	s0 =	sor.u32 s1, s0  }
0xbe: {  	s0 =	sadd.s32 $0x8F2B, s0  }
0xbf: {  	[sflag:s0] =	ssyncadd.remote.s32 $0x1  }
0xc0: {  	_ =	sfence.sel $0xFFFF  }
0xc1: {  	[dreg:$0x0] =	wrdreg $0xFFFFFFFF;
	(pc) =	sbr.abs _section_cstart, $3  }
0xc2: {  	[dreg:$0x1] =	wrdreg $0xFFFFFFFF  }
0xc3: {  	_ =	task.clear_ibuf [dreg:s8], $0x2FFFF;
	_ =	strace $0x9FFFFFFF  }
0xc4: {  	(tm) =	ssettm $0x7FFFFFFF  }
0xc5: {  	_ =	shalt  }
tec
execute0_lowered:
.L_overlay_start_1:
0x0: {  	(tag) =	ssettag $0x1  }
0x1: {  	s1 =	rddreg [dreg:$0x0];
	s2 =	srdreg.scid  }
0x2: {  	s4 =	rddreg [dreg:$0x1];
	s0 =	stileid.u32;
	s3 =	simm.s32 $0x0  }
0x3: {  	s8 =	simm.s32 $0x80;
	s26 =	simm.s32 $0x880;
	s9 =	simm.s32 $0x1080  }
0x4: {  	s10 =	simm.s32 $0x1880;
	s11 =	simm.s32 $0x2080;
	s12 =	simm.s32 $0x2880  }
0x5: {  	s13 =	simm.s32 $0x3080;
	s14 =	simm.s32 $0x3880;
	s15 =	simm.s32 $0x4080  }
0x6: {  	s16 =	simm.s32 $0x4880;
	s17 =	simm.s32 $0x5080;
	s18 =	simm.s32 $0x5880  }
0x7: {  	s19 =	simm.s32 $0x6080;
	s20 =	simm.s32 $0x6880;
	s21 =	simm.s32 $0x7080  }
0x8: {  	s22 =	simm.s32 $0x7880;
	s23 =	simm.s32 $0x8080;
	s24 =	simm.s32 $0x8880  }
0x9: {  	s28 =	simm.s32 $0xA080;
	s29 =	simm.s32 $0xA880;
	s30 =	simm.s32 $0xB080  }
0xa: {  	s31 =	simm.s32 $0xB880;
	s5 =	sand.u32 $0x1, s2;
	s2 =	rddreg [dreg:$0x2]  }
0xb: {  	s6 =	sshll.u32 s0, $0x4;
	[smem:$0x7FF] =	sst s3;
	s7 =	sshll.u32 s5, $0x3  }
0xc: {  	_ =	strace $0x80000047;
	s5 =	ssub.s32 $0x2, s5;
	[dreg:$0x6] =	wrdreg s26  }
0xd: {  	s26 =	simm.s32 $0x9880;
	s6 =	sor.u32 s7, s6;
	s25 =	sshrl.u32 s5, $0x1  }
0xe: {  	s7 =	smul.u32 $0x300, s6;
	s4 =	sadd.s32 s4, s6;
	s6 =	ssub.s32 s5, s25  }
0xf: {  	v2 =	vlaneseq.u32;
	s5 =	sadd.s32 $0x200, s2;
	s25 =	simm.s32 $0x9080;
	[dreg:$0x4] =	wrdreg s4  }
0x10: {  	vm0 =	vmmov $0xffff;
	v1 =	vshrl.u32 v2, $0x3;
	s4 =	sadd.s32 $0x100, s2;
	s6 =	smax.u32 s6, $0x1;
	s1 =	sadd.s32 s1, s7  }
0x11: {  	v0 =	vand.u32 $0x7, v2;
	v2 =	vor.u32 $0x8, v2;
	v1 =	vmul.u32 $0x8, v1;
	s7 =	simm.s32 $0x2;
	[dreg:$0x5] =	wrdreg s1;
	s1 =	simm.s32 $0x1  }
.LBB2_1:
0x12: {  	s0 =	rddreg [dreg:$0x4]  }
0x13: {  	[tilespmem:s3], [sflag:$0x2] =	stream.linear.gather [hbm4b:s0+s3], $0x40, $0x38;
	[tilespmem:$0xC080] =	vst v63  }
0x14: {  	_ =	swait.ge [sflag:s7], $0x40  }
0x15: {  	[sflag:s7] =	ssyncset.done $0x0  }
0x16: {  	s0 =	rddreg [dreg:$0x5];
	[sflag:s7] =	ssyncadd.s32 $0xFFFFFFC0  }
0x17: {  	[tilespmem:s8], [sflag:$0x2] =	stream.linear.gather [hbm4b:s0+s3], $0xC000, $0x38;
	[tilespmem:$0xC080] =	vst v63  }
0x18: {  	_ =	swait.ge [sflag:s7], $0xC000  }
0x19: {  	[sflag:s7] =	ssyncset.done $0x0  }
0x1a: {  	[sflag:s7] =	ssyncadd.s32 $0xFFFF4000  }
0x1b: {  	v3 =	vld [tilespmem:$0x0];
	_ =	sdelay $0x4  }
0x1c: {  	v4 =	vshrl.u32 v3, $0x3  }
0x1d: {  	v4 =	vmul.u32 $0x30, v4  }
0x1e: {  	v3 =	vand.u32 $0x7, v3  }
0x1f: {  	v3 =	vor.u32 v3, v4  }
0x20: {  	v4 =	vperm.xlane v3, v0;
	_ =	sdelay $0x1  }
0x21: {  	v4 =	vadd.s32 v1, v4;
	_ =	sdelay $0x3  }
0x22: {  	v3 =	vperm.xlane v3, v2  }
0x23: {  	[hbm4b:s2+s3] =	stream.indirect_vreg.scatter [tilespmem:s8], [sflag:$0x1], $0x80, v4, vm0, $0xb8;
	[tilespmem:$0xC080] =	vst v63  }
0x24: {  	s0 =	rddreg [dreg:$0x6];
	v3 =	vadd.s32 v1, v3  }
0x25: {  	[hbm4b:s4+s3] =	stream.indirect_vreg.scatter [tilespmem:s0], [sflag:$0x1], $0x80, v4, vm0, $0xb8;
	[tilespmem:$0xC080] =	vst v63  }
0x26: {  	_ = 	snop  }
0x27: {  	[hbm4b:s5+s3] =	stream.indirect_vreg.scatter [tilespmem:s9], [sflag:$0x1], $0x80, v4, vm0, $0xb8;
	[tilespmem:$0xC080] =	vst v63  }
0x28: {  	_ = 	snop  }
0x29: {  	[hbm4b:s2+s3] =	stream.indirect_vreg.scatter [tilespmem:s10], [sflag:$0x1], $0x80, v3, vm0, $0xb8;
	[tilespmem:$0xC080] =	vst v63  }
0x2a: {  	_ = 	snop  }
0x2b: {  	[hbm4b:s4+s3] =	stream.indirect_vreg.scatter [tilespmem:s11], [sflag:$0x1], $0x80, v3, vm0, $0xb8;
	[tilespmem:$0xC080] =	vst v63  }
0x2c: {  	_ = 	snop  }
0x2d: {  	[hbm4b:s5+s3] =	stream.indirect_vreg.scatter [tilespmem:s12], [sflag:$0x1], $0x80, v3, vm0, $0xb8;
	[tilespmem:$0xC080] =	vst v63  }
0x2e: {  	v3 =	vld [tilespmem:$0x10];
	_ =	sdelay $0x4  }
0x2f: {  	v61 =	vshrl.u32 v3, $0x3  }
0x30: {  	v4 =	vmul.u32 $0x30, v61  }
0x31: {  	v3 =	vand.u32 $0x7, v3  }
0x32: {  	v3 =	vor.u32 v3, v4  }
0x33: {  	v4 =	vperm.xlane v3, v0;
	_ =	sdelay $0x1  }
0x34: {  	v4 =	vadd.s32 v1, v4;
	_ =	sdelay $0x3  }
0x35: {  	v3 =	vperm.xlane v3, v2  }
0x36: {  	[hbm4b:s2+s3] =	stream.indirect_vreg.scatter [tilespmem:s13], [sflag:$0x1], $0x80, v4, vm0, $0xb8;
	[tilespmem:$0xC080] =	vst v63  }
0x37: {  	v3 =	vadd.s32 v1, v3  }
0x38: {  	[hbm4b:s4+s3] =	stream.indirect_vreg.scatter [tilespmem:s14], [sflag:$0x1], $0x80, v4, vm0, $0xb8;
	[tilespmem:$0xC080] =	vst v63  }
0x39: {  	_ = 	snop  }
0x3a: {  	[hbm4b:s5+s3] =	stream.indirect_vreg.scatter [tilespmem:s15], [sflag:$0x1], $0x80, v4, vm0, $0xb8;
	[tilespmem:$0xC080] =	vst v63  }
0x3b: {  	_ = 	snop  }
0x3c: {  	[hbm4b:s2+s3] =	stream.indirect_vreg.scatter [tilespmem:s16], [sflag:$0x1], $0x80, v3, vm0, $0xb8;
	[tilespmem:$0xC080] =	vst v63  }
0x3d: {  	_ = 	snop  }
0x3e: {  	[hbm4b:s4+s3] =	stream.indirect_vreg.scatter [tilespmem:s17], [sflag:$0x1], $0x80, v3, vm0, $0xb8;
	[tilespmem:$0xC080] =	vst v63  }
0x3f: {  	_ = 	snop  }
0x40: {  	[hbm4b:s5+s3] =	stream.indirect_vreg.scatter [tilespmem:s18], [sflag:$0x1], $0x80, v3, vm0, $0xb8;
	[tilespmem:$0xC080] =	vst v63  }
0x41: {  	v3 =	vld [tilespmem:$0x20];
	_ =	sdelay $0x4  }
0x42: {  	v62 =	vshrl.u32 v3, $0x3  }
0x43: {  	v4 =	vmul.u32 $0x30, v62  }
0x44: {  	v3 =	vand.u32 $0x7, v3  }
0x45: {  	v3 =	vor.u32 v3, v4  }
0x46: {  	v4 =	vperm.xlane v3, v0;
	_ =	sdelay $0x1  }
0x47: {  	v4 =	vadd.s32 v1, v4;
	_ =	sdelay $0x3  }
0x48: {  	v3 =	vperm.xlane v3, v2  }
0x49: {  	[hbm4b:s2+s3] =	stream.indirect_vreg.scatter [tilespmem:s19], [sflag:$0x1], $0x80, v4, vm0, $0xb8;
	[tilespmem:$0xC080] =	vst v63  }
0x4a: {  	v3 =	vadd.s32 v1, v3  }
0x4b: {  	[hbm4b:s4+s3] =	stream.indirect_vreg.scatter [tilespmem:s20], [sflag:$0x1], $0x80, v4, vm0, $0xb8;
	[tilespmem:$0xC080] =	vst v63  }
0x4c: {  	_ = 	snop  }
0x4d: {  	[hbm4b:s5+s3] =	stream.indirect_vreg.scatter [tilespmem:s21], [sflag:$0x1], $0x80, v4, vm0, $0xb8;
	[tilespmem:$0xC080] =	vst v63  }
0x4e: {  	_ = 	snop  }
0x4f: {  	[hbm4b:s2+s3] =	stream.indirect_vreg.scatter [tilespmem:s22], [sflag:$0x1], $0x80, v3, vm0, $0xb8;
	[tilespmem:$0xC080] =	vst v63  }
0x50: {  	_ = 	snop  }
0x51: {  	[hbm4b:s4+s3] =	stream.indirect_vreg.scatter [tilespmem:s23], [sflag:$0x1], $0x80, v3, vm0, $0xb8;
	[tilespmem:$0xC080] =	vst v63  }
0x52: {  	_ = 	snop  }
0x53: {  	[hbm4b:s5+s3] =	stream.indirect_vreg.scatter [tilespmem:s24], [sflag:$0x1], $0x80, v3, vm0, $0xb8;
	[tilespmem:$0xC080] =	vst v63  }
0x54: {  	v3 =	vld [tilespmem:$0x30];
	_ =	sdelay $0x4  }
0x55: {  	v63 =	vshrl.u32 v3, $0x3  }
0x56: {  	v4 =	vmul.u32 $0x30, v63  }
0x57: {  	v3 =	vand.u32 $0x7, v3  }
0x58: {  	v3 =	vor.u32 v3, v4  }
0x59: {  	v4 =	vperm.xlane v3, v0;
	_ =	sdelay $0x1  }
0x5a: {  	v4 =	vadd.s32 v1, v4;
	_ =	sdelay $0x3  }
0x5b: {  	v3 =	vperm.xlane v3, v2  }
0x5c: {  	[hbm4b:s2+s3] =	stream.indirect_vreg.scatter [tilespmem:s25], [sflag:$0x1], $0x80, v4, vm0, $0xb8;
	[tilespmem:$0xC080] =	vst v63  }
0x5d: {  	v3 =	vadd.s32 v1, v3  }
0x5e: {  	[hbm4b:s4+s3] =	stream.indirect_vreg.scatter [tilespmem:s26], [sflag:$0x1], $0x80, v4, vm0, $0xb8;
	[tilespmem:$0xC080] =	vst v63  }
0x5f: {  	_ = 	snop  }
0x60: {  	[hbm4b:s5+s3] =	stream.indirect_vreg.scatter [tilespmem:s28], [sflag:$0x1], $0x80, v4, vm0, $0xb8;
	[tilespmem:$0xC080] =	vst v63  }
0x61: {  	_ = 	snop  }
0x62: {  	[hbm4b:s2+s3] =	stream.indirect_vreg.scatter [tilespmem:s29], [sflag:$0x1], $0x80, v3, vm0, $0xb8;
	[tilespmem:$0xC080] =	vst v63  }
0x63: {  	p0 =	sne.s32 s6, $0x1  }
0x64: {  	[hbm4b:s4+s3] =	stream.indirect_vreg.scatter [tilespmem:s30], [sflag:$0x1], $0x80, v3, vm0, $0xb8;
	[tilespmem:$0xC080] =	vst v63  }
.Ltmp0:
0x65: {  	_ = 	snop;
	(pc) =	sbr.rel @p0 .LBB2_1-.Ltmp0, $4  }
0x66: {  	[hbm4b:s5+s3] =	stream.indirect_vreg.scatter [tilespmem:s31], [sflag:$0x1], $0x80, v3, vm0, $0xb8;
	[tilespmem:$0xC080] =	vst v63  }
0x67: {  	_ =	swait.ge [sflag:s1], $0xC000  }
0x68: {  	[sflag:s1] =	ssyncset.done $0x0  }
0x69: {  	s6 =	sadd.s32 $0xFFFFFFFF, s6;
	[sflag:s1] =	ssyncadd.s32 $0xFFFF4000  }
0x6a: {  	_ =	sfence.sel $0x180000  }
0x6b: {  	[bflag:$0x0] =	sbarrier.arrive $0xFFFF  }
0x6c: {  	_ =	strace $0x90000047  }
0x6d: {  	s0 =	stileid.u32;
	[bflag:$0x2] =	sbarrier.arrive $0xFFFF  }
0x6e: {  	p0 =	sne.s32 s0, $0x0;
	s0 =	rddreg [dreg:$0x3]  }
0x6f: {  	s0 =	sadd.s32 @!p0 $0x100000, s0  }
0x70: {  	[sflag:s0] =	ssyncadd.tile.s32 @!p0 $0x1;
	_ =	shalt  }
.Lfunc_end2:
_tile_overlayer_lowered:
.L_overlay_start_2:
0x71: {  	(tag) =	ssettag $0x2  }
0x72: {  	s0 =	rddreg [dreg:$0x0];
	s2 =	stileid.u32  }
0x73: {  	s1 =	rddreg [dreg:$0x1];
	p0 =	sne.s32 s2, $0x0  }
0x74: {  	s3 =	rddreg [dreg:$0x2];
	[bflag:$0x3] =	sbarrier.arrive $0xFFFF;
	s2 =	simm.s32 @!p0 $0x1C02  }
0x75: {  	[timem:s3], [sflag:s2] =	dma.local @!p0 [hbm:s0], s1  }
0x76: {  	s0 =	simm.s32 @!p0 $0x2  }
0x77: {  	_ =	swait.ge @!p0 [sflag:s0], s1  }
0x78: {  	s1 =	ssub.s32 @!p0 $0x0, s1;
	[sflag:s0] =	ssyncset.done @!p0 $0x0  }
0x79: {  	[sflag:s0] =	ssyncadd.s32 @!p0 s1  }
0x7a: {  	[bflag:$0x3] =	sbarrier.arrive $0xFFFF  }
0x7b: {  	_ =	shalt  }

// kernel: kernel.9.cloned.1.call-start
scs
__scs_entry_jumppad:
0x0: {  	(pc) =	sbr.rel $0x88, $3  }
0x1: {  	(tag) =	ssettag $0x0;
	lr =	simm.s32 $0x1  }
0x2: {  	[smem:$0x3F96] =	sst lr;
	_ =	strace $0xD0000000  }
0x3: {  	_ = 	snop  }
0x4: {  	_ = 	snop  }
0x5: {  	_ = 	snop  }
0x6: {  	_ = 	snop  }
0x7: {  	_ = 	snop  }
__scs_overlays_trampoline_lowered:
0x8: {  	[smem:$0x3FA5] =	sst s0  }
0x9: {  	[smem:$0x3FA6] =	sst s1  }
0xa: {  	[smem:$0x3FA7] =	sst s2  }
0xb: {  	[smem:$0x3FA8] =	sst s3  }
0xc: {  	[smem:$0x3FA9] =	sst s4  }
0xd: {  	[smem:$0x3FAA] =	sst s5  }
0xe: {  	[smem:$0x3FAB] =	sst s6  }
0xf: {  	[smem:$0x3FAC] =	sst s7  }
0x10: {  	[smem:$0x3FAD] =	sst s8  }
0x11: {  	[smem:$0x3FAE] =	sst s9;
	s0 =	simm.s32 @!p0 $0x0  }
0x12: {  	s1 =	sld [smem:$0x3F94];
	s0 =	simm.s32 @p0 $0x1  }
0x13: {  	[smem:$0x3FAF] =	sst s0;
	s0 =	simm.s32 @!p1 $0x0  }
0x14: {  	s2 =	sld [smem:$0x3F93];
	s0 =	simm.s32 @p1 $0x1  }
0x15: {  	[smem:$0x3FB0] =	sst s0;
	s0 =	simm.s32 @!p2 $0x0  }
0x16: {  	s3 =	sld [smem:$0x3FDB];
	s0 =	simm.s32 @p2 $0x1  }
0x17: {  	s4 =	simm.s32 $0x1BF5;
	[smem:$0x3FB2] =	sst s0  }
0x18: {  	s0 =	sld [smem:$0x3F95];
	_ =	swait.ge [sflag:s4], $0x0  }
0x19: {  	s7 =	sld [smem:$0x3F96]  }
0x1a: {  	s8 =	sadd.s32 $0xFFFFE003, lr  }
0x1b: {  	s9 =	sadd.s32 $0xFFFFFEF7, lr;
	s5 =	simm.s32 $0xFFFFFFFF;
	p2 =	slt.u32 s8, $0xFFFFF086  }
0x1c: {  	p1 =	slt.u32 s9, $0xF7A;
	s5 =	simm.s32 @!p2 $0x0  }
0x1d: {  	s5 =	simm.s32 @p1 $0x1;
	p0 =	seq.s32 s7, s2  }
0x1e: {  	s7 =	smul.u32 @!p0 $0xF7A, s2;
	p2 =	seq.s32 @!p0 s5, $0x0  }
0x1f: {  	s9 =	smul.u32 $0xF7A, s1;
	s8 =	simm.s32 @!p0 $0x1BF5;
	p2 =	por !p2, p0  }
0x20: {  	[sflag:s8] =	ssyncset.s32 @!p0 $0xFFFFF086;
	s6 =	sadd.s32 @!p0 s3, s7;
	s7 =	simm.s32 @!p0 $0x108  }
0x21: {  	s3 =	sadd.s32 s3, s9;
	s6 =	sadd.s32 @!p0 $0x88, s6;
	s7 =	simm.s32 @p2 $0x1082  }
0x22: {  	[simem:s7], [sflag:s8] =	dma.local @!p0 [hbm:s6], $0xF7A  }
0x23: {  	s9 =	sor.u32 $0xD0000000, s2;
	s6 =	simm.s32 $0x108;
	_ =	swait.ge @!p0 [sflag:s8], $0x0  }
0x24: {  	s3 =	sadd.s32 $0x88, s3;
	s6 =	simm.s32 @!p1 $0x1082;
	[sflag:s4] =	ssyncset.s32 $0xFFFFF086  }
0x25: {  	[simem:s6], [sflag:s4] =	dma.local [hbm:s3], $0xF7A  }
0x26: {  	[smem:$0x3F96] =	sst s1;
	(tag) =	ssettag s2;
	_ =	strace s9  }
0x27: {  	s1 =	sld [smem:$0x3FA6]  }
0x28: {  	s2 =	sld [smem:$0x3FA7]  }
0x29: {  	s4 =	sld [smem:$0x3FA9]  }
0x2a: {  	p0 =	seq.s32 s5, $0x0;
	s5 =	sld [smem:$0x3FAA]  }
0x2b: {  	s6 =	sld [smem:$0x3FAB]  }
0x2c: {  	s7 =	sld [smem:$0x3FAC]  }
0x2d: {  	s3 =	simm.s32 $0x108;
	s8 =	sld [smem:$0x3FAD]  }
0x2e: {  	s3 =	simm.s32 @!p0 $0x1082;
	s9 =	sld [smem:$0x3FAE]  }
0x2f: {  	lr =	sadd.s32 s0, s3;
	s0 =	sld [smem:$0x3FA5]  }
0x30: {  	s3 =	sld [smem:$0x3FA8]  }
0x31: {  	[smem:$0x3FB1] =	sst s10  }
0x32: {  	s10 =	sld [smem:$0x3FAF];
	_ =	sdelay $0x3  }
0x33: {  	p0 =	seq.s32 s10, $0x1;
	s10 =	sld [smem:$0x3FB1];
	_ =	sdelay $0x3  }
0x34: {  	[smem:$0x3FB1] =	sst s10  }
0x35: {  	s10 =	sld [smem:$0x3FB0];
	_ =	sdelay $0x3  }
0x36: {  	p1 =	seq.s32 s10, $0x1;
	s10 =	sld [smem:$0x3FB1];
	_ =	sdelay $0x3  }
0x37: {  	[smem:$0x3FB1] =	sst s10  }
0x38: {  	s10 =	sld [smem:$0x3FB2]  }
0x39: {  	_ = 	snop;
	(pc) =	sbr.ind lr, $3  }
0x3a: {  	_ = 	snop  }
0x3b: {  	_ = 	snop  }
0x3c: {  	p2 =	seq.s32 s10, $0x1;
	s10 =	sld [smem:$0x3FB1]  }
0x3d: {  	_ =	shalt  }
0x3e: {  	_ =	shalt  }
0x3f: {  	_ =	shalt  }
0x40: {  	_ =	shalt  }
0x41: {  	_ =	shalt  }
0x42: {  	_ =	shalt  }
0x43: {  	_ =	shalt  }
0x44: {  	_ =	shalt  }
0x45: {  	_ =	shalt  }
0x46: {  	_ =	shalt  }
0x47: {  	_ =	shalt  }
0x48: {  	_ =	shalt  }
0x49: {  	_ =	shalt  }
0x4a: {  	_ =	shalt  }
0x4b: {  	_ =	shalt  }
0x4c: {  	_ =	shalt  }
0x4d: {  	_ =	shalt  }
0x4e: {  	_ =	shalt  }
0x4f: {  	_ =	shalt  }
0x50: {  	_ =	shalt  }
0x51: {  	_ =	shalt  }
0x52: {  	_ =	shalt  }
0x53: {  	_ =	shalt  }
0x54: {  	_ =	shalt  }
0x55: {  	_ =	shalt  }
0x56: {  	_ =	shalt  }
0x57: {  	_ =	shalt  }
0x58: {  	_ =	shalt  }
0x59: {  	_ =	shalt  }
0x5a: {  	_ =	shalt  }
0x5b: {  	_ =	shalt  }
0x5c: {  	_ =	shalt  }
0x5d: {  	_ =	shalt  }
0x5e: {  	_ =	shalt  }
0x5f: {  	_ =	shalt  }
0x60: {  	_ =	shalt  }
0x61: {  	_ =	shalt  }
0x62: {  	_ =	shalt  }
0x63: {  	_ =	shalt  }
0x64: {  	_ =	shalt  }
0x65: {  	_ =	shalt  }
0x66: {  	_ =	shalt  }
0x67: {  	_ =	shalt  }
0x68: {  	_ =	shalt  }
0x69: {  	_ =	shalt  }
0x6a: {  	_ =	shalt  }
0x6b: {  	_ =	shalt  }
0x6c: {  	_ =	shalt  }
0x6d: {  	_ =	shalt  }
0x6e: {  	_ =	shalt  }
0x6f: {  	_ =	shalt  }
0x70: {  	_ =	shalt  }
0x71: {  	_ =	shalt  }
0x72: {  	_ =	shalt  }
0x73: {  	_ =	shalt  }
0x74: {  	_ =	shalt  }
0x75: {  	_ =	shalt  }
0x76: {  	_ =	shalt  }
0x77: {  	_ =	shalt  }
0x78: {  	_ =	shalt  }
0x79: {  	_ =	shalt  }
0x7a: {  	_ =	shalt  }
0x7b: {  	_ =	shalt  }
0x7c: {  	_ =	shalt  }
0x7d: {  	_ =	shalt  }
0x7e: {  	_ =	shalt  }
0x7f: {  	_ =	shalt  }
0x80: {  	_ =	shalt  }
0x81: {  	_ =	shalt  }
0x82: {  	_ =	shalt  }
0x83: {  	_ =	shalt  }
0x84: {  	_ =	shalt  }
0x85: {  	_ =	shalt  }
0x86: {  	_ =	shalt  }
0x87: {  	_ =	shalt  }
.Lfunc_end0:
.L_simem_size_0:
called_computation.1_lowered:
.L_overlay_start_0:
0x88: {  	s2 =	sld [smem:$0x3FD9]  }
0x89: {  	s3 =	sld [smem:$0x3FFE];
	_ =	sdelay $0x1  }
0x8a: {  	s1 =	srdreg.scid  }
0x8b: {  	s0 =	sand.u32 $0x1, s1  }
0x8c: {  	s17 =	sshll.u32 s0, $0xA;
	s2 =	sadd.s32 s3, s2  }
0x8d: {  	s2 =	sadd.s32 s2, s17  }
0x8e: {  	[smem:$0x3FBD] =	sst s2  }
0x8f: {  	_ = 	snop  }
0x90: {  	s2 =	sld [smem:$0x3FD0];
	(tm) =	ssettm $0x1  }
0x91: {  	s18 =	sld [smem:$0x3FFB];
	_ =	sdelay $0x3  }
0x92: {  	_ =	strace s18  }
0x93: {  	s3 =	sld [smem:$0x3FFC];
	_ =	sdelay $0x3  }
0x94: {  	_ =	strace s3  }
0x95: {  	s3 =	sld [smem:$0x3FFD];
	_ =	sdelay $0x3  }
0x96: {  	_ =	strace s3  }
0x97: {  	_ =	strace $0x8FFFFFFF  }
0x98: {  	s19 =	sld [smem:$0x3FDB];
	_ =	sdelay $0x1  }
0x99: {  	s4 =	simm.s32 $_scs_section_size  }
0x9a: {  	s5 =	simm.s32 $_size__tile_overlayer_lowered;
	s6 =	simm.s32 $_tile_overlayer_lowered  }
0x9b: {  	s22 =	simm.s32 $0x1BFF;
	s21 =	sshll.u32 s6, $0x1;
	s3 =	sadd.s32 s4, s19  }
0x9c: {  	s7 =	simm.s32 $0x0;
	s20 =	sshll.u32 s5, $0x1;
	s5 =	sadd.s32 s21, s3  }
0x9d: {  	[timem:s7], [sflag:s22] =	dma.local [hbm:s5], s20  }
0x9e: {  	_ =	swait.ge [sflag:s22], s20  }
0x9f: {  	s4 =	ssub.s32 $0x0, s20;
	[sflag:s22] =	ssyncset.done $0x0  }
0xa0: {  	[sflag:s22] =	ssyncadd.s32 s4;
	_ =	sdelay $0x1  }
0xa1: {  	s23 =	simm.s32 $0x1B8B  }
0xa2: {  	_ =	swait.ge [sflag:s23], $0x1  }
0xa3: {  	[sflag:s23] =	ssyncset.done $0x0  }
0xa4: {  	s25 =	simm.s32 $0x1B8E;
	s24 =	sld [smem:$0x3FFE];
	[sflag:s23] =	ssyncadd.s32 $0xFFFFFFFF  }
0xa5: {  	s26 =	simm.s32 $execute0_lowered;
	[smem:$0x3FD2] =	sst s25  }
0xa6: {  	s5 =	sshll.u32 s26, $0x1;
	_ =	strace $0x80000049;
	[dreg:$0x1] =	wrdreg $0xFFFFFFFF  }
0xa7: {  	s28 =	simm.s32 $_size_execute0_lowered;
	s3 =	sadd.s32 s3, s5;
	[dreg:$0x0] =	wrdreg $0x0  }
0xa8: {  	s5 =	sshll.u32 s28, $0x1;
	[dreg:$0x2] =	wrdreg s3  }
0xa9: {  	[dreg:$0x3] =	wrdreg s5  }
0xaa: {  	[dreg:$0x4] =	wrdreg $0xC0  }
0xab: {  	_ =	task [dreg:s7], $0x5FFFF  }
0xac: {  	[dreg:$0x1] =	wrdreg $0xFFFFFFFF  }
0xad: {  	[dreg:$0x0] =	wrdreg $0x60  }
0xae: {  	[dreg:$0x2] =	wrdreg s24  }
0xaf: {  	[dreg:$0x3] =	wrdreg s2  }
0xb0: {  	[dreg:$0x4] =	wrdreg $0x9  }
0xb1: {  	_ =	task.clear_ibuf [dreg:s7], $0x5FFFF;
	_ =	strace $0x90000049  }
0xb2: {  	s29 =	simm.s32 $0x9;
	_ =	strace $0x8000004B  }
0xb3: {  	_ =	swait.ge [sflag:s29], $0x1  }
0xb4: {  	[sflag:s29] =	ssyncadd.s32 $0xFFFFFFFF  }
0xb5: {  	_ =	strace $0x9000004B  }
0xb6: {  	_ =	sfence  }
0xb7: {  	s30 =	sld [smem:$0x0];
	_ =	sdelay $0x2  }
0xb8: {  	s31 =	sshll.u32 s1, $0xD;
	s1 =	sshrl.u32 s1, $0x2  }
0xb9: {  	s3 =	sand.u32 $0x4000, s31;
	s1 =	sadd.s32 s1, s30  }
0xba: {  	s0 =	sor.u32 s3, s0;
	s1 =	sshll.u32 s1, $0x11  }
0xbb: {  	s0 =	sor.u32 s1, s0  }
0xbc: {  	s0 =	sadd.s32 $0x8F2B, s0  }
0xbd: {  	[sflag:s0] =	ssyncadd.remote.s32 $0x1  }
0xbe: {  	_ =	sfence.sel $0xFFFF  }
0xbf: {  	[dreg:$0x0] =	wrdreg $0xFFFFFFFF;
	(pc) =	sbr.abs _section_cstart, $3  }
0xc0: {  	[dreg:$0x1] =	wrdreg $0xFFFFFFFF  }
0xc1: {  	_ =	task.clear_ibuf [dreg:s7], $0x2FFFF;
	_ =	strace $0x9FFFFFFF  }
0xc2: {  	(tm) =	ssettm $0x7FFFFFFF  }
0xc3: {  	_ =	shalt  }
tec
execute0_lowered:
.L_overlay_start_1:
0x0: {  	(tag) =	ssettag $0x1  }
0x1: {  	s0 =	rddreg [dreg:$0x0]  }
0x2: {  	s5 =	rddreg [dreg:$0x1]  }
0x3: {  	s2 =	srdreg.scid;
	s1 =	stileid.u32;
	s26 =	simm.s32 $0x880  }
0x4: {  	s9 =	simm.s32 $0x1080;
	s10 =	simm.s32 $0x1880;
	s11 =	simm.s32 $0x2080  }
0x5: {  	s12 =	simm.s32 $0x2880;
	s13 =	simm.s32 $0x3080;
	s14 =	simm.s32 $0x3880  }
0x6: {  	s15 =	simm.s32 $0x4080;
	s16 =	simm.s32 $0x4880;
	s17 =	simm.s32 $0x5080  }
0x7: {  	s18 =	simm.s32 $0x5880;
	s19 =	simm.s32 $0x6080;
	s20 =	simm.s32 $0x6880  }
0x8: {  	s21 =	simm.s32 $0x7080;
	s22 =	simm.s32 $0x7880;
	s23 =	simm.s32 $0x8080  }
0x9: {  	s28 =	simm.s32 $0xA080;
	s29 =	simm.s32 $0xA880;
	s30 =	simm.s32 $0xB080  }
0xa: {  	s31 =	simm.s32 $0xB880;
	s3 =	sand.u32 $0x1, s2;
	s2 =	simm.s32 $0x0  }
0xb: {  	s4 =	sshll.u32 s1, $0x4;
	s6 =	sshll.u32 s3, $0x3;
	[smem:$0x7FF] =	sst s2  }
0xc: {  	s7 =	ssub.s32 $0x2, s3;
	s3 =	sadd.s32 $0x200, s0;
	s4 =	sor.u32 s6, s4  }
0xd: {  	_ =	strace $0x8000004A;
	s24 =	sshrl.u32 s7, $0x1;
	[dreg:$0x5] =	wrdreg s26  }
0xe: {  	s26 =	simm.s32 $0x9880;
	s8 =	smul.u32 $0x300, s4;
	s6 =	ssub.s32 s7, s24  }
0xf: {  	s4 =	sadd.s32 s0, s4;
	s7 =	simm.s32 $0x2;
	s24 =	simm.s32 $0x8880  }
0x10: {  	v2 =	vlaneseq.u32;
	[dreg:$0x3] =	wrdreg s4;
	s4 =	sadd.s32 $0x300, s0;
	s6 =	smax.u32 s6, $0x1  }
0x11: {  	vm0 =	vmmov $0xffff;
	v1 =	vshrl.u32 v2, $0x3;
	s25 =	sadd.s32 s5, s8;
	s5 =	sadd.s32 $0x400, s0;
	s8 =	simm.s32 $0x80  }
0x12: {  	v0 =	vand.u32 $0x7, v2;
	v2 =	vor.u32 $0x8, v2;
	v1 =	vmul.u32 $0x8, v1;
	s0 =	simm.s32 $0x1;
	[dreg:$0x4] =	wrdreg s25;
	s25 =	simm.s32 $0x9080  }
.LBB2_1:
0x13: {  	s1 =	rddreg [dreg:$0x3]  }
0x14: {  	[tilespmem:s2], [sflag:$0x2] =	stream.linear.gather [hbm4b:s1+s2], $0x40, $0x38;
	[tilespmem:$0xC080] =	vst v63  }
0x15: {  	_ =	swait.ge [sflag:s7], $0x40  }
0x16: {  	[sflag:s7] =	ssyncset.done $0x0  }
0x17: {  	[sflag:s7] =	ssyncadd.s32 $0xFFFFFFC0  }
0x18: {  	v3 =	vld [tilespmem:$0x0];
	_ =	sdelay $0x4  }
0x19: {  	v4 =	vshrl.u32 v3, $0x3  }
0x1a: {  	v4 =	vmul.u32 $0x30, v4  }
0x1b: {  	v3 =	vand.u32 $0x7, v3  }
0x1c: {  	v3 =	vor.u32 v3, v4  }
0x1d: {  	v4 =	vperm.xlane v3, v0;
	_ =	sdelay $0x1  }
0x1e: {  	v4 =	vadd.s32 v1, v4;
	_ =	sdelay $0x3  }
0x1f: {  	v3 =	vperm.xlane v3, v2  }
0x20: {  	[tilespmem:s8], [sflag:$0x1] =	stream.indirect_vreg.gather [hbm4b:s3+s2], $0x80, v4, vm0, $0xb8;
	[tilespmem:$0xC080] =	vst v63  }
0x21: {  	s1 =	rddreg [dreg:$0x5];
	v3 =	vadd.s32 v1, v3  }
0x22: {  	[tilespmem:s1], [sflag:$0x1] =	stream.indirect_vreg.gather [hbm4b:s4+s2], $0x80, v4, vm0, $0xb8;
	[tilespmem:$0xC080] =	vst v63  }
0x23: {  	_ = 	snop  }
0x24: {  	[tilespmem:s9], [sflag:$0x1] =	stream.indirect_vreg.gather [hbm4b:s5+s2], $0x80, v4, vm0, $0xb8;
	[tilespmem:$0xC080] =	vst v63  }
0x25: {  	_ = 	snop  }
0x26: {  	[tilespmem:s10], [sflag:$0x1] =	stream.indirect_vreg.gather [hbm4b:s3+s2], $0x80, v3, vm0, $0xb8;
	[tilespmem:$0xC080] =	vst v63  }
0x27: {  	_ = 	snop  }
0x28: {  	[tilespmem:s11], [sflag:$0x1] =	stream.indirect_vreg.gather [hbm4b:s4+s2], $0x80, v3, vm0, $0xb8;
	[tilespmem:$0xC080] =	vst v63  }
0x29: {  	_ = 	snop  }
0x2a: {  	[tilespmem:s12], [sflag:$0x1] =	stream.indirect_vreg.gather [hbm4b:s5+s2], $0x80, v3, vm0, $0xb8;
	[tilespmem:$0xC080] =	vst v63  }
0x2b: {  	v3 =	vld [tilespmem:$0x10];
	_ =	sdelay $0x4  }
0x2c: {  	v61 =	vshrl.u32 v3, $0x3  }
0x2d: {  	v4 =	vmul.u32 $0x30, v61  }
0x2e: {  	v3 =	vand.u32 $0x7, v3  }
0x2f: {  	v3 =	vor.u32 v3, v4  }
0x30: {  	v4 =	vperm.xlane v3, v0;
	_ =	sdelay $0x1  }
0x31: {  	v4 =	vadd.s32 v1, v4;
	_ =	sdelay $0x3  }
0x32: {  	v3 =	vperm.xlane v3, v2  }
0x33: {  	[tilespmem:s13], [sflag:$0x1] =	stream.indirect_vreg.gather [hbm4b:s3+s2], $0x80, v4, vm0, $0xb8;
	[tilespmem:$0xC080] =	vst v63  }
0x34: {  	v3 =	vadd.s32 v1, v3  }
0x35: {  	[tilespmem:s14], [sflag:$0x1] =	stream.indirect_vreg.gather [hbm4b:s4+s2], $0x80, v4, vm0, $0xb8;
	[tilespmem:$0xC080] =	vst v63  }
0x36: {  	_ = 	snop  }
0x37: {  	[tilespmem:s15], [sflag:$0x1] =	stream.indirect_vreg.gather [hbm4b:s5+s2], $0x80, v4, vm0, $0xb8;
	[tilespmem:$0xC080] =	vst v63  }
0x38: {  	_ = 	snop  }
0x39: {  	[tilespmem:s16], [sflag:$0x1] =	stream.indirect_vreg.gather [hbm4b:s3+s2], $0x80, v3, vm0, $0xb8;
	[tilespmem:$0xC080] =	vst v63  }
0x3a: {  	_ = 	snop  }
0x3b: {  	[tilespmem:s17], [sflag:$0x1] =	stream.indirect_vreg.gather [hbm4b:s4+s2], $0x80, v3, vm0, $0xb8;
	[tilespmem:$0xC080] =	vst v63  }
0x3c: {  	_ = 	snop  }
0x3d: {  	[tilespmem:s18], [sflag:$0x1] =	stream.indirect_vreg.gather [hbm4b:s5+s2], $0x80, v3, vm0, $0xb8;
	[tilespmem:$0xC080] =	vst v63  }
0x3e: {  	v3 =	vld [tilespmem:$0x20];
	_ =	sdelay $0x4  }
0x3f: {  	v62 =	vshrl.u32 v3, $0x3  }
0x40: {  	v4 =	vmul.u32 $0x30, v62  }
0x41: {  	v3 =	vand.u32 $0x7, v3  }
0x42: {  	v3 =	vor.u32 v3, v4  }
0x43: {  	v4 =	vperm.xlane v3, v0;
	_ =	sdelay $0x1  }
0x44: {  	v4 =	vadd.s32 v1, v4;
	_ =	sdelay $0x3  }
0x45: {  	v3 =	vperm.xlane v3, v2  }
0x46: {  	[tilespmem:s19], [sflag:$0x1] =	stream.indirect_vreg.gather [hbm4b:s3+s2], $0x80, v4, vm0, $0xb8;
	[tilespmem:$0xC080] =	vst v63  }
0x47: {  	v3 =	vadd.s32 v1, v3  }
0x48: {  	[tilespmem:s20], [sflag:$0x1] =	stream.indirect_vreg.gather [hbm4b:s4+s2], $0x80, v4, vm0, $0xb8;
	[tilespmem:$0xC080] =	vst v63  }
0x49: {  	_ = 	snop  }
0x4a: {  	[tilespmem:s21], [sflag:$0x1] =	stream.indirect_vreg.gather [hbm4b:s5+s2], $0x80, v4, vm0, $0xb8;
	[tilespmem:$0xC080] =	vst v63  }
0x4b: {  	_ = 	snop  }
0x4c: {  	[tilespmem:s22], [sflag:$0x1] =	stream.indirect_vreg.gather [hbm4b:s3+s2], $0x80, v3, vm0, $0xb8;
	[tilespmem:$0xC080] =	vst v63  }
0x4d: {  	_ = 	snop  }
0x4e: {  	[tilespmem:s23], [sflag:$0x1] =	stream.indirect_vreg.gather [hbm4b:s4+s2], $0x80, v3, vm0, $0xb8;
	[tilespmem:$0xC080] =	vst v63  }
0x4f: {  	_ = 	snop  }
0x50: {  	[tilespmem:s24], [sflag:$0x1] =	stream.indirect_vreg.gather [hbm4b:s5+s2], $0x80, v3, vm0, $0xb8;
	[tilespmem:$0xC080] =	vst v63  }
0x51: {  	v3 =	vld [tilespmem:$0x30];
	_ =	sdelay $0x4  }
0x52: {  	v63 =	vshrl.u32 v3, $0x3  }
0x53: {  	v4 =	vmul.u32 $0x30, v63  }
0x54: {  	v3 =	vand.u32 $0x7, v3  }
0x55: {  	v3 =	vor.u32 v3, v4  }
0x56: {  	v4 =	vperm.xlane v3, v0;
	_ =	sdelay $0x1  }
0x57: {  	v4 =	vadd.s32 v1, v4;
	_ =	sdelay $0x3  }
0x58: {  	v3 =	vperm.xlane v3, v2  }
0x59: {  	[tilespmem:s25], [sflag:$0x1] =	stream.indirect_vreg.gather [hbm4b:s3+s2], $0x80, v4, vm0, $0xb8;
	[tilespmem:$0xC080] =	vst v63  }
0x5a: {  	v3 =	vadd.s32 v1, v3  }
0x5b: {  	[tilespmem:s26], [sflag:$0x1] =	stream.indirect_vreg.gather [hbm4b:s4+s2], $0x80, v4, vm0, $0xb8;
	[tilespmem:$0xC080] =	vst v63  }
0x5c: {  	_ = 	snop  }
0x5d: {  	[tilespmem:s28], [sflag:$0x1] =	stream.indirect_vreg.gather [hbm4b:s5+s2], $0x80, v4, vm0, $0xb8;
	[tilespmem:$0xC080] =	vst v63  }
0x5e: {  	_ = 	snop  }
0x5f: {  	[tilespmem:s29], [sflag:$0x1] =	stream.indirect_vreg.gather [hbm4b:s3+s2], $0x80, v3, vm0, $0xb8;
	[tilespmem:$0xC080] =	vst v63  }
0x60: {  	_ = 	snop  }
0x61: {  	[tilespmem:s30], [sflag:$0x1] =	stream.indirect_vreg.gather [hbm4b:s4+s2], $0x80, v3, vm0, $0xb8;
	[tilespmem:$0xC080] =	vst v63  }
0x62: {  	_ = 	snop  }
0x63: {  	[tilespmem:s31], [sflag:$0x1] =	stream.indirect_vreg.gather [hbm4b:s5+s2], $0x80, v3, vm0, $0xb8;
	[tilespmem:$0xC080] =	vst v63  }
0x64: {  	_ =	swait.ge [sflag:s0], $0xC000  }
0x65: {  	p0 =	sne.s32 s6, $0x1;
	[sflag:s0] =	ssyncset.done $0x0  }
.Ltmp0:
0x66: {  	s1 =	rddreg [dreg:$0x4];
	[sflag:s0] =	ssyncadd.s32 $0xFFFF4000;
	(pc) =	sbr.rel @p0 .LBB2_1-.Ltmp0, $4  }
0x67: {  	[hbm4b:s1+s2] =	stream.linear.scatter [tilespmem:s8], [sflag:$0x2], $0xC000, $0x38;
	[tilespmem:$0xC080] =	vst v63  }
0x68: {  	_ =	swait.ge [sflag:s7], $0xC000  }
0x69: {  	[sflag:s7] =	ssyncset.done $0x0  }
0x6a: {  	s6 =	sadd.s32 $0xFFFFFFFF, s6;
	[sflag:s7] =	ssyncadd.s32 $0xFFFF4000  }
0x6b: {  	_ =	sfence.sel $0x180000  }
0x6c: {  	[bflag:$0x0] =	sbarrier.arrive $0xFFFF  }
0x6d: {  	_ =	strace $0x9000004A  }
0x6e: {  	s0 =	stileid.u32;
	[bflag:$0x2] =	sbarrier.arrive $0xFFFF  }
0x6f: {  	p0 =	sne.s32 s0, $0x0;
	s0 =	rddreg [dreg:$0x2]  }
0x70: {  	s0 =	sadd.s32 @!p0 $0x100000, s0  }
0x71: {  	[sflag:s0] =	ssyncadd.tile.s32 @!p0 $0x1;
	_ =	shalt  }
.Lfunc_end2:
_tile_overlayer_lowered:
.L_overlay_start_2:
0x72: {  	(tag) =	ssettag $0x2  }
0x73: {  	s0 =	rddreg [dreg:$0x0];
	s2 =	stileid.u32  }
0x74: {  	s1 =	rddreg [dreg:$0x1];
	p0 =	sne.s32 s2, $0x0  }
0x75: {  	s3 =	rddreg [dreg:$0x2];
	[bflag:$0x3] =	sbarrier.arrive $0xFFFF;
	s2 =	simm.s32 @!p0 $0x1C02  }
0x76: {  	[timem:s3], [sflag:s2] =	dma.local @!p0 [hbm:s0], s1  }
0x77: {  	s0 =	simm.s32 @!p0 $0x2  }
0x78: {  	_ =	swait.ge @!p0 [sflag:s0], s1  }
0x79: {  	s1 =	ssub.s32 @!p0 $0x0, s1;
	[sflag:s0] =	ssyncset.done @!p0 $0x0  }
0x7a: {  	[sflag:s0] =	ssyncadd.s32 @!p0 s1  }
0x7b: {  	[bflag:$0x3] =	sbarrier.arrive $0xFFFF  }
0x7c: {  	_ =	shalt  }

</sc_bundles>
